<compile_context>
chip_gen: v7x
topology: tpu7x:2x2x1
jax: 0.10.2.dev20260603
libtpu: 0.0.44.dev20260713+nightly
codegen_flags: <defaults>
</compile_context>

<pallas_src>
import functools

import jax
import jax.numpy as jnp
from jax import lax
from jax.experimental import pallas as pl
from jax.experimental.pallas import tpu as pltpu
from jax.experimental.pallas import tpu_sc as plsc

_EMB = 1024
_NC = 2
_NS = 16
_NW = _NC * _NS
_CH = 16
_NBUF = 4


@functools.partial(jax.jit, static_argnums=())
def _gather_rows(idx, table):
    nb, seq = idx.shape
    B = nb * seq
    b_per_w = B // _NW
    w_per_b = seq // b_per_w
    nch = b_per_w // _CH
    mesh = plsc.VectorSubcoreMesh(core_axis_name="c", subcore_axis_name="s")

    @functools.partial(
        pl.kernel,
        out_type=jax.ShapeDtypeStruct((nb, seq, _EMB), jnp.float32),
        mesh=mesh,
        scratch_types=[
            pltpu.VMEM((b_per_w,), jnp.int32),
            pltpu.VMEM((_NBUF, _CH, _EMB), jnp.float32),
            [pltpu.SemaphoreType.DMA] * _NBUF,
            [pltpu.SemaphoreType.DMA] * _NBUF,
        ],
    )
    def k(idx_hbm, table_hbm, out_hbm, idx_v, bufs, gsems, osems):
        wid = lax.axis_index("s") * _NC + lax.axis_index("c")
        bi = wid // w_per_b
        base = (wid % w_per_b) * b_per_w
        pltpu.sync_copy(idx_hbm.at[bi].at[pl.ds(base, b_per_w)], idx_v)

        def start_gather(c, b):
            off = pl.multiple_of(c * _CH, _CH)
            pltpu.async_copy(
                table_hbm.at[idx_v.at[pl.ds(off, _CH)]], bufs.at[b], gsems[b]
            )

        def wait_gather(b):
            pltpu.make_async_copy(
                table_hbm.at[idx_v.at[pl.ds(0, _CH)]], bufs.at[b], gsems[b]
            ).wait()

        def start_write(c, b):
            off = pl.multiple_of(c * _CH, _CH)
            pltpu.async_copy(
                bufs.at[b], out_hbm.at[bi].at[pl.ds(base + off, _CH)], osems[b]
            )

        def wait_write(b):
            pltpu.make_async_copy(
                bufs.at[b], out_hbm.at[bi].at[pl.ds(base, _CH)], osems[b]
            ).wait()

        for b in range(_NBUF):
            start_gather(b, b)

        @pl.loop(0, nch // _NBUF)
        def _visits(g):
            for b in range(_NBUF):
                c = g * _NBUF + b
                wait_gather(b)
                start_write(c, b)
                bp = (b - 1) % _NBUF
                cn = c - 1 + _NBUF

                @pl.when((c >= 1) & (cn < nch))
                def _():
                    wait_write(bp)
                    start_gather(cn, bp)

        for b in range(_NBUF):
            wait_write(b)

    return k(idx, table)


def kernel(input_text, encodings):
    return _gather_rows(input_text.astype(jnp.int32), encodings)

# --- scband reference (transcript-rebuilt; emitter-appended) ---
"""Pipeline reference for scband-positional-encodings-14757507629203 (READ-ONLY COPY).

The authoritative reference and input builder live on the scoring server;
editing this copy changes nothing except your own understanding.
"""

import jax, jax.numpy as jnp
import numpy as np

MAX_SEQ = 8192
EMB_DIM = 1024
BATCH = 4
SEQ = 8192

def setup_inputs(seed: int = 0) -> dict:
    key = jax.random.key(seed)
    k_idx, k_tab = jax.random.split(key)
    input_text = jax.random.randint(k_idx, (BATCH, SEQ), 0, MAX_SEQ, dtype=jnp.int64) if jax.config.jax_enable_x64 else jax.random.randint(k_idx, (BATCH, SEQ), 0, MAX_SEQ, dtype=jnp.int32)
    encodings = jax.random.normal(k_tab, (MAX_SEQ, EMB_DIM), dtype=jnp.float32)
    return {"input_text": input_text, "encodings": encodings}

def reference(input_text, encodings):
    # nn.Embedding lookup: gather rows of the positional-encoding table
    return jnp.take(encodings, input_text, axis=0)

if __name__ == "__main__":
    import jax
    _d = setup_inputs()
    print(jax.jit(kernel)(*tuple(_d.values())))

</pallas_src>

<mosaic_0001>
#map = affine_map<(d0, d1) -> (0, 0)>
#map1 = affine_map<(d0, d1) -> (0, 0, 0)>
module attributes {stable_mosaic.version = 14 : i64} {
  func.func @k(%arg0: i32, %arg1: i32, %arg2: memref<4x8192xi32, #tpu.memory_space<hbm>>, %arg3: memref<8192x1024xf32, #tpu.memory_space<hbm>>, %arg4: memref<4x8192x1024xf32, #tpu.memory_space<hbm>>, %arg5: memref<1024xi32, #tpu.memory_space<vmem>>, %arg6: memref<4x16x1024xf32, #tpu.memory_space<vmem>>, %arg7: memref<!tpu.dma_semaphore, #tpu.memory_space<semaphore_mem>>, %arg8: memref<!tpu.dma_semaphore, #tpu.memory_space<semaphore_mem>>, %arg9: memref<!tpu.dma_semaphore, #tpu.memory_space<semaphore_mem>>, %arg10: memref<!tpu.dma_semaphore, #tpu.memory_space<semaphore_mem>>, %arg11: memref<!tpu.dma_semaphore, #tpu.memory_space<semaphore_mem>>, %arg12: memref<!tpu.dma_semaphore, #tpu.memory_space<semaphore_mem>>, %arg13: memref<!tpu.dma_semaphore, #tpu.memory_space<semaphore_mem>>, %arg14: memref<!tpu.dma_semaphore, #tpu.memory_space<semaphore_mem>>) attributes {dimension_semantics = [#tpu.dimension_semantics<core_parallel>, #tpu.dimension_semantics<subcore_parallel>], iteration_bounds = array<i64: 2, 16>, scalar_prefetch = 0 : i64, scratch_operands = 10 : i64, tpu.core_type = #tpu.core_type<sc_vector_subcore>, window_params = [{transform_indices = #map}, {transform_indices = #map}, {transform_indices = #map1}]} {
    %mul3A = arith.constant 2 : i32
    %mul3A_0 = arith.muli %arg1, %mul3A : i32
    %add3A = arith.addi %mul3A_0, %arg0 : i32
    %jit3A = arith.constant 8 : i32
    %div3A = arith.divsi %add3A, %jit3A : i32
    %sign3A = arith.constant 0 : i32
    %sign3A_1 = arith.cmpi sgt, %add3A, %sign3A : i32
    %sign3A_2 = arith.extui %sign3A_1 : i1 to i32
    %sign3A_3 = arith.constant 0 : i32
    %sign3A_4 = arith.cmpi slt, %add3A, %sign3A_3 : i32
    %sign3A_5 = arith.extui %sign3A_4 : i1 to i32
    %sign3A_6 = arith.subi %sign3A_2, %sign3A_5 : i32
    %sign3A_7 = arith.constant 0 : i32
    %sign3A_8 = arith.cmpi sgt, %jit3A, %sign3A_7 : i32
    %sign3A_9 = arith.extui %sign3A_8 : i1 to i32
    %sign3A_10 = arith.constant 0 : i32
    %sign3A_11 = arith.cmpi slt, %jit3A, %sign3A_10 : i32
    %sign3A_12 = arith.extui %sign3A_11 : i1 to i32
    %sign3A_13 = arith.subi %sign3A_9, %sign3A_12 : i32
    %ne3A = arith.cmpi ne, %sign3A_6, %sign3A_13 : i32
    %rem3A = arith.remsi %add3A, %jit3A : i32
    %ne3A_14 = arith.constant 0 : i32
    %ne3A_15 = arith.cmpi ne, %rem3A, %ne3A_14 : i32
    %and3A = arith.andi %ne3A, %ne3A_15 : i1
    %sub3A = arith.constant 1 : i32
    %sub3A_16 = arith.subi %div3A, %sub3A : i32
    %select_n3A = arith.select %and3A, %sub3A_16, %div3A : i32
    %jit3A_17 = arith.constant 8 : i32
    %eq3A = arith.constant 0 : i32
    %eq3A_18 = arith.cmpi eq, %jit3A_17, %eq3A : i32
    %jit3A_19 = arith.constant 1 : i32
    %select_n3A_20 = arith.select %eq3A_18, %jit3A_19, %jit3A_17 : i32
    %rem3A_21 = arith.remsi %add3A, %select_n3A_20 : i32
    %ne3A_22 = arith.constant 0 : i32
    %ne3A_23 = arith.cmpi ne, %rem3A_21, %ne3A_22 : i32
    %lt3A = arith.constant 0 : i32
    %lt3A_24 = arith.cmpi slt, %rem3A_21, %lt3A : i32
    %lt3A_25 = arith.constant 0 : i32
    %lt3A_26 = arith.cmpi slt, %select_n3A_20, %lt3A_25 : i32
    %ne3A_27 = arith.xori %lt3A_24, %lt3A_26 : i1
    %and3A_28 = arith.andi %ne3A_27, %ne3A_23 : i1
    %add3A_29 = arith.addi %rem3A_21, %select_n3A_20 : i32
    %select_n3A_30 = arith.select %and3A_28, %add3A_29, %rem3A_21 : i32
    %mul3A_31 = arith.constant 1024 : i32
    %mul3A_32 = arith.muli %select_n3A_30, %mul3A_31 : i32
    "tpu.region"() ({
      %run_scoped3A = tpu.sem_alloc : memref<!tpu.dma_semaphore, #tpu.memory_space<semaphore_mem>>
      %dma_start3A_162 = arith.constant 0 : i32
      %dma_start3A_163 = tpu.memref_slice %arg2[%select_n3A, %dma_start3A_162] : memref<4x8192xi32, #tpu.memory_space<hbm>> -> memref<1x8192xi32, #tpu.memory_space<hbm>>
      %dma_start3A_164 = tpu.memref_squeeze %dma_start3A_163 : memref<1x8192xi32, #tpu.memory_space<hbm>> -> memref<8192xi32, #tpu.memory_space<hbm>>
      %dma_start3A_165 = tpu.memref_slice %dma_start3A_164[%mul3A_32] : memref<8192xi32, #tpu.memory_space<hbm>> -> memref<1024xi32, #tpu.memory_space<hbm>>
      %dma_start3A_166 = arith.constant 0 : i32
      %dma_start3A_167 = tpu.memref_slice %arg2[%select_n3A, %dma_start3A_166] : memref<4x8192xi32, #tpu.memory_space<hbm>> -> memref<1x8192xi32, #tpu.memory_space<hbm>>
      %dma_start3A_168 = tpu.memref_squeeze %dma_start3A_167 : memref<1x8192xi32, #tpu.memory_space<hbm>> -> memref<8192xi32, #tpu.memory_space<hbm>>
      %dma_start3A_169 = tpu.memref_slice %dma_start3A_168[%mul3A_32] : memref<8192xi32, #tpu.memory_space<hbm>> -> memref<1024xi32, #tpu.memory_space<hbm>>
      tpu.enqueue_dma source(%dma_start3A_169 : memref<1024xi32, #tpu.memory_space<hbm>>) target(%arg5 : memref<1024xi32, #tpu.memory_space<vmem>>) target_semaphore(%run_scoped3A : memref<!tpu.dma_semaphore, #tpu.memory_space<semaphore_mem>>)
      %dma_wait3A_170 = arith.constant 0 : i32
      %dma_wait3A_171 = tpu.memref_slice %arg2[%select_n3A, %dma_wait3A_170] : memref<4x8192xi32, #tpu.memory_space<hbm>> -> memref<1x8192xi32, #tpu.memory_space<hbm>>
      %dma_wait3A_172 = tpu.memref_squeeze %dma_wait3A_171 : memref<1x8192xi32, #tpu.memory_space<hbm>> -> memref<8192xi32, #tpu.memory_space<hbm>>
      %dma_wait3A_173 = tpu.memref_slice %dma_wait3A_172[%mul3A_32] : memref<8192xi32, #tpu.memory_space<hbm>> -> memref<1024xi32, #tpu.memory_space<hbm>>
      %dma_wait3A_174 = arith.constant 0 : i32
      %dma_wait3A_175 = tpu.memref_slice %arg2[%select_n3A, %dma_wait3A_174] : memref<4x8192xi32, #tpu.memory_space<hbm>> -> memref<1x8192xi32, #tpu.memory_space<hbm>>
      %dma_wait3A_176 = tpu.memref_squeeze %dma_wait3A_175 : memref<1x8192xi32, #tpu.memory_space<hbm>> -> memref<8192xi32, #tpu.memory_space<hbm>>
      %dma_wait3A_177 = tpu.memref_slice %dma_wait3A_176[%mul3A_32] : memref<8192xi32, #tpu.memory_space<hbm>> -> memref<1024xi32, #tpu.memory_space<hbm>>
      tpu.wait_dma2 semaphore(%run_scoped3A : memref<!tpu.dma_semaphore, #tpu.memory_space<semaphore_mem>>) src(%dma_wait3A_177 : memref<1024xi32, #tpu.memory_space<hbm>>) dst(%arg5 : memref<1024xi32, #tpu.memory_space<vmem>>)
      tpu.yield
    }) : () -> ()
    %multiple_of3A = arith.constant 0 : i32
    %multiple_of3A_33 = tpu.assume_multiple %multiple_of3A, 16 : i32
    %dma_start3A = arith.constant 0 : i32
    %dma_start3A_34 = arith.constant 0 : i32
    %dma_start3A_35 = arith.constant 0 : i32
    %dma_start3A_36 = tpu.memref_slice %arg6[%dma_start3A, %dma_start3A_34, %dma_start3A_35] : memref<4x16x1024xf32, #tpu.memory_space<vmem>> -> memref<1x16x1024xf32, #tpu.memory_space<vmem>>
    %dma_start3A_37 = tpu.memref_squeeze %dma_start3A_36 : memref<1x16x1024xf32, #tpu.memory_space<vmem>> -> memref<16x1024xf32, #tpu.memory_space<vmem>>
    %dma_start3A_38 = tpu.memref_slice %arg5[%multiple_of3A_33] : memref<1024xi32, #tpu.memory_space<vmem>> -> memref<16xi32, #tpu.memory_space<vmem>>
    %dma_start3A_39 = arith.constant 0 : i32
    %dma_start3A_40 = arith.constant 0 : i32
    %dma_start3A_41 = tpu.memref_slice %arg3[%dma_start3A_39, %dma_start3A_40] : memref<8192x1024xf32, #tpu.memory_space<hbm>> -> memref<8192x1024xf32, #tpu.memory_space<hbm>>
    tpu.enqueue_indirect_dma source(%dma_start3A_41 : memref<8192x1024xf32, #tpu.memory_space<hbm>>) target(%dma_start3A_37 : memref<16x1024xf32, #tpu.memory_space<vmem>>) offsets(%dma_start3A_38 : memref<16xi32, #tpu.memory_space<vmem>>) semaphore(%arg7 : memref<!tpu.dma_semaphore, #tpu.memory_space<semaphore_mem>>)
    %multiple_of3A_42 = arith.constant 16 : i32
    %multiple_of3A_43 = tpu.assume_multiple %multiple_of3A_42, 16 : i32
    %dma_start3A_44 = arith.constant 1 : i32
    %dma_start3A_45 = arith.constant 0 : i32
    %dma_start3A_46 = arith.constant 0 : i32
    %dma_start3A_47 = tpu.memref_slice %arg6[%dma_start3A_44, %dma_start3A_45, %dma_start3A_46] : memref<4x16x1024xf32, #tpu.memory_space<vmem>> -> memref<1x16x1024xf32, #tpu.memory_space<vmem>>
    %dma_start3A_48 = tpu.memref_squeeze %dma_start3A_47 : memref<1x16x1024xf32, #tpu.memory_space<vmem>> -> memref<16x1024xf32, #tpu.memory_space<vmem>>
    %dma_start3A_49 = tpu.memref_slice %arg5[%multiple_of3A_43] : memref<1024xi32, #tpu.memory_space<vmem>> -> memref<16xi32, #tpu.memory_space<vmem>>
    %dma_start3A_50 = arith.constant 0 : i32
    %dma_start3A_51 = arith.constant 0 : i32
    %dma_start3A_52 = tpu.memref_slice %arg3[%dma_start3A_50, %dma_start3A_51] : memref<8192x1024xf32, #tpu.memory_space<hbm>> -> memref<8192x1024xf32, #tpu.memory_space<hbm>>
    tpu.enqueue_indirect_dma source(%dma_start3A_52 : memref<8192x1024xf32, #tpu.memory_space<hbm>>) target(%dma_start3A_48 : memref<16x1024xf32, #tpu.memory_space<vmem>>) offsets(%dma_start3A_49 : memref<16xi32, #tpu.memory_space<vmem>>) semaphore(%arg8 : memref<!tpu.dma_semaphore, #tpu.memory_space<semaphore_mem>>)
    %multiple_of3A_53 = arith.constant 32 : i32
    %multiple_of3A_54 = tpu.assume_multiple %multiple_of3A_53, 16 : i32
    %dma_start3A_55 = arith.constant 2 : i32
    %dma_start3A_56 = arith.constant 0 : i32
    %dma_start3A_57 = arith.constant 0 : i32
    %dma_start3A_58 = tpu.memref_slice %arg6[%dma_start3A_55, %dma_start3A_56, %dma_start3A_57] : memref<4x16x1024xf32, #tpu.memory_space<vmem>> -> memref<1x16x1024xf32, #tpu.memory_space<vmem>>
    %dma_start3A_59 = tpu.memref_squeeze %dma_start3A_58 : memref<1x16x1024xf32, #tpu.memory_space<vmem>> -> memref<16x1024xf32, #tpu.memory_space<vmem>>
    %dma_start3A_60 = tpu.memref_slice %arg5[%multiple_of3A_54] : memref<1024xi32, #tpu.memory_space<vmem>> -> memref<16xi32, #tpu.memory_space<vmem>>
    %dma_start3A_61 = arith.constant 0 : i32
    %dma_start3A_62 = arith.constant 0 : i32
    %dma_start3A_63 = tpu.memref_slice %arg3[%dma_start3A_61, %dma_start3A_62] : memref<8192x1024xf32, #tpu.memory_space<hbm>> -> memref<8192x1024xf32, #tpu.memory_space<hbm>>
    tpu.enqueue_indirect_dma source(%dma_start3A_63 : memref<8192x1024xf32, #tpu.memory_space<hbm>>) target(%dma_start3A_59 : memref<16x1024xf32, #tpu.memory_space<vmem>>) offsets(%dma_start3A_60 : memref<16xi32, #tpu.memory_space<vmem>>) semaphore(%arg9 : memref<!tpu.dma_semaphore, #tpu.memory_space<semaphore_mem>>)
    %multiple_of3A_64 = arith.constant 48 : i32
    %multiple_of3A_65 = tpu.assume_multiple %multiple_of3A_64, 16 : i32
    %dma_start3A_66 = arith.constant 3 : i32
    %dma_start3A_67 = arith.constant 0 : i32
    %dma_start3A_68 = arith.constant 0 : i32
    %dma_start3A_69 = tpu.memref_slice %arg6[%dma_start3A_66, %dma_start3A_67, %dma_start3A_68] : memref<4x16x1024xf32, #tpu.memory_space<vmem>> -> memref<1x16x1024xf32, #tpu.memory_space<vmem>>
    %dma_start3A_70 = tpu.memref_squeeze %dma_start3A_69 : memref<1x16x1024xf32, #tpu.memory_space<vmem>> -> memref<16x1024xf32, #tpu.memory_space<vmem>>
    %dma_start3A_71 = tpu.memref_slice %arg5[%multiple_of3A_65] : memref<1024xi32, #tpu.memory_space<vmem>> -> memref<16xi32, #tpu.memory_space<vmem>>
    %dma_start3A_72 = arith.constant 0 : i32
    %dma_start3A_73 = arith.constant 0 : i32
    %dma_start3A_74 = tpu.memref_slice %arg3[%dma_start3A_72, %dma_start3A_73] : memref<8192x1024xf32, #tpu.memory_space<hbm>> -> memref<8192x1024xf32, #tpu.memory_space<hbm>>
    tpu.enqueue_indirect_dma source(%dma_start3A_74 : memref<8192x1024xf32, #tpu.memory_space<hbm>>) target(%dma_start3A_70 : memref<16x1024xf32, #tpu.memory_space<vmem>>) offsets(%dma_start3A_71 : memref<16xi32, #tpu.memory_space<vmem>>) semaphore(%arg10 : memref<!tpu.dma_semaphore, #tpu.memory_space<semaphore_mem>>)
    %scan3A = arith.constant 0 : i32
    %scan3A_75 = arith.constant 16 : i32
    %scan3A_76 = arith.addi %scan3A, %scan3A_75 : i32
    %scan3A_77 = arith.constant 1 : i32
    scf.for %scan3A_162 = %scan3A to %scan3A_76 step %scan3A_77  : i32 {
      %mul3A_163 = arith.constant 1 : i32
      %mul3A_164 = arith.muli %scan3A_162, %mul3A_163 : i32
      %add3A_165 = arith.constant 0 : i32
      %add3A_166 = arith.addi %add3A_165, %mul3A_164 : i32
      %mul3A_167 = arith.constant 4 : i32
      %mul3A_168 = arith.muli %add3A_166, %mul3A_167 : i32
      %add3A_169 = arith.constant 0 : i32
      %add3A_170 = arith.addi %mul3A_168, %add3A_169 : i32
      %dma_wait3A_171 = arith.constant 0 : i32
      %dma_wait3A_172 = arith.constant 0 : i32
      %dma_wait3A_173 = arith.constant 0 : i32
      %dma_wait3A_174 = tpu.memref_slice %arg6[%dma_wait3A_171, %dma_wait3A_172, %dma_wait3A_173] : memref<4x16x1024xf32, #tpu.memory_space<vmem>> -> memref<1x16x1024xf32, #tpu.memory_space<vmem>>
      %dma_wait3A_175 = tpu.memref_squeeze %dma_wait3A_174 : memref<1x16x1024xf32, #tpu.memory_space<vmem>> -> memref<16x1024xf32, #tpu.memory_space<vmem>>
      %dma_wait3A_176 = arith.constant 0 : i32
      %dma_wait3A_177 = tpu.memref_slice %arg5[%dma_wait3A_176] : memref<1024xi32, #tpu.memory_space<vmem>> -> memref<16xi32, #tpu.memory_space<vmem>>
      %dma_wait3A_178 = arith.constant 0 : i32
      %dma_wait3A_179 = arith.constant 0 : i32
      %dma_wait3A_180 = tpu.memref_slice %arg3[%dma_wait3A_178, %dma_wait3A_179] : memref<8192x1024xf32, #tpu.memory_space<hbm>> -> memref<8192x1024xf32, #tpu.memory_space<hbm>>
      tpu.wait_indirect_dma semaphore(%arg7 : memref<!tpu.dma_semaphore, #tpu.memory_space<semaphore_mem>>) src(%dma_wait3A_180 : memref<8192x1024xf32, #tpu.memory_space<hbm>>) dst(%dma_wait3A_175 : memref<16x1024xf32, #tpu.memory_space<vmem>>)
      %mul3A_181 = arith.constant 16 : i32
      %mul3A_182 = arith.muli %add3A_170, %mul3A_181 : i32
      %multiple_of3A_183 = tpu.assume_multiple %mul3A_182, 16 : i32
      %add3A_184 = arith.addi %mul3A_32, %multiple_of3A_183 : i32
      %dma_start3A_185 = arith.constant 0 : i32
      %dma_start3A_186 = arith.constant 0 : i32
      %dma_start3A_187 = arith.constant 0 : i32
      %dma_start3A_188 = tpu.memref_slice %arg6[%dma_start3A_185, %dma_start3A_186, %dma_start3A_187] : memref<4x16x1024xf32, #tpu.memory_space<vmem>> -> memref<1x16x1024xf32, #tpu.memory_space<vmem>>
      %dma_start3A_189 = tpu.memref_squeeze %dma_start3A_188 : memref<1x16x1024xf32, #tpu.memory_space<vmem>> -> memref<16x1024xf32, #tpu.memory_space<vmem>>
      %dma_start3A_190 = arith.constant 0 : i32
      %dma_start3A_191 = arith.constant 0 : i32
      %dma_start3A_192 = tpu.memref_slice %arg4[%select_n3A, %dma_start3A_190, %dma_start3A_191] : memref<4x8192x1024xf32, #tpu.memory_space<hbm>> -> memref<1x8192x1024xf32, #tpu.memory_space<hbm>>
      %dma_start3A_193 = tpu.memref_squeeze %dma_start3A_192 : memref<1x8192x1024xf32, #tpu.memory_space<hbm>> -> memref<8192x1024xf32, #tpu.memory_space<hbm>>
      %dma_start3A_194 = arith.constant 0 : i32
      %dma_start3A_195 = tpu.memref_slice %dma_start3A_193[%add3A_184, %dma_start3A_194] : memref<8192x1024xf32, #tpu.memory_space<hbm>> -> memref<16x1024xf32, #tpu.memory_space<hbm>>
      %dma_start3A_196 = arith.constant 0 : i32
      %dma_start3A_197 = arith.constant 0 : i32
      %dma_start3A_198 = tpu.memref_slice %arg4[%select_n3A, %dma_start3A_196, %dma_start3A_197] : memref<4x8192x1024xf32, #tpu.memory_space<hbm>> -> memref<1x8192x1024xf32, #tpu.memory_space<hbm>>
      %dma_start3A_199 = tpu.memref_squeeze %dma_start3A_198 : memref<1x8192x1024xf32, #tpu.memory_space<hbm>> -> memref<8192x1024xf32, #tpu.memory_space<hbm>>
      %dma_start3A_200 = arith.constant 0 : i32
      %dma_start3A_201 = tpu.memref_slice %dma_start3A_199[%add3A_184, %dma_start3A_200] : memref<8192x1024xf32, #tpu.memory_space<hbm>> -> memref<16x1024xf32, #tpu.memory_space<hbm>>
      %dma_start3A_202 = arith.constant 0 : i32
      %dma_start3A_203 = arith.constant 0 : i32
      %dma_start3A_204 = tpu.memref_slice %arg6[%dma_start3A_185, %dma_start3A_202, %dma_start3A_203] : memref<4x16x1024xf32, #tpu.memory_space<vmem>> -> memref<1x16x1024xf32, #tpu.memory_space<vmem>>
      %dma_start3A_205 = tpu.memref_squeeze %dma_start3A_204 : memref<1x16x1024xf32, #tpu.memory_space<vmem>> -> memref<16x1024xf32, #tpu.memory_space<vmem>>
      tpu.enqueue_dma source(%dma_start3A_205 : memref<16x1024xf32, #tpu.memory_space<vmem>>) target(%dma_start3A_201 : memref<16x1024xf32, #tpu.memory_space<hbm>>) target_semaphore(%arg11 : memref<!tpu.dma_semaphore, #tpu.memory_space<semaphore_mem>>)
      %sub3A_206 = arith.constant 1 : i32
      %sub3A_207 = arith.subi %add3A_170, %sub3A_206 : i32
      %add3A_208 = arith.constant 4 : i32
      %add3A_209 = arith.addi %sub3A_207, %add3A_208 : i32
      %ge3A = arith.constant 1 : i32
      %ge3A_210 = arith.cmpi sge, %add3A_170, %ge3A : i32
      %lt3A_211 = arith.constant 64 : i32
      %lt3A_212 = arith.cmpi slt, %add3A_209, %lt3A_211 : i32
      %and3A_213 = arith.andi %ge3A_210, %lt3A_212 : i1
      %convert_element_type3A = arith.extui %and3A_213 : i1 to i32
      %cond3A = arith.constant 0 : i32
      %cond3A_214 = arith.cmpi ne, %convert_element_type3A, %cond3A : i32
      scf.if %cond3A_214 {
        %dma_wait3A_368 = arith.constant 3 : i32
        %dma_wait3A_369 = arith.constant 0 : i32
        %dma_wait3A_370 = arith.constant 0 : i32
        %dma_wait3A_371 = tpu.memref_slice %arg6[%dma_wait3A_368, %dma_wait3A_369, %dma_wait3A_370] : memref<4x16x1024xf32, #tpu.memory_space<vmem>> -> memref<1x16x1024xf32, #tpu.memory_space<vmem>>
        %dma_wait3A_372 = tpu.memref_squeeze %dma_wait3A_371 : memref<1x16x1024xf32, #tpu.memory_space<vmem>> -> memref<16x1024xf32, #tpu.memory_space<vmem>>
        %dma_wait3A_373 = arith.constant 0 : i32
        %dma_wait3A_374 = arith.constant 0 : i32
        %dma_wait3A_375 = tpu.memref_slice %arg4[%select_n3A, %dma_wait3A_373, %dma_wait3A_374] : memref<4x8192x1024xf32, #tpu.memory_space<hbm>> -> memref<1x8192x1024xf32, #tpu.memory_space<hbm>>
        %dma_wait3A_376 = tpu.memref_squeeze %dma_wait3A_375 : memref<1x8192x1024xf32, #tpu.memory_space<hbm>> -> memref<8192x1024xf32, #tpu.memory_space<hbm>>
        %dma_wait3A_377 = arith.constant 0 : i32
        %dma_wait3A_378 = tpu.memref_slice %dma_wait3A_376[%mul3A_32, %dma_wait3A_377] : memref<8192x1024xf32, #tpu.memory_space<hbm>> -> memref<16x1024xf32, #tpu.memory_space<hbm>>
        %dma_wait3A_379 = arith.constant 0 : i32
        %dma_wait3A_380 = arith.constant 0 : i32
        %dma_wait3A_381 = tpu.memref_slice %arg4[%select_n3A, %dma_wait3A_379, %dma_wait3A_380] : memref<4x8192x1024xf32, #tpu.memory_space<hbm>> -> memref<1x8192x1024xf32, #tpu.memory_space<hbm>>
        %dma_wait3A_382 = tpu.memref_squeeze %dma_wait3A_381 : memref<1x8192x1024xf32, #tpu.memory_space<hbm>> -> memref<8192x1024xf32, #tpu.memory_space<hbm>>
        %dma_wait3A_383 = arith.constant 0 : i32
        %dma_wait3A_384 = tpu.memref_slice %dma_wait3A_382[%mul3A_32, %dma_wait3A_383] : memref<8192x1024xf32, #tpu.memory_space<hbm>> -> memref<16x1024xf32, #tpu.memory_space<hbm>>
        %dma_wait3A_385 = arith.constant 0 : i32
        %dma_wait3A_386 = arith.constant 0 : i32
        %dma_wait3A_387 = tpu.memref_slice %arg6[%dma_wait3A_368, %dma_wait3A_385, %dma_wait3A_386] : memref<4x16x1024xf32, #tpu.memory_space<vmem>> -> memref<1x16x1024xf32, #tpu.memory_space<vmem>>
        %dma_wait3A_388 = tpu.memref_squeeze %dma_wait3A_387 : memref<1x16x1024xf32, #tpu.memory_space<vmem>> -> memref<16x1024xf32, #tpu.memory_space<vmem>>
        tpu.wait_dma2 semaphore(%arg14 : memref<!tpu.dma_semaphore, #tpu.memory_space<semaphore_mem>>) src(%dma_wait3A_388 : memref<16x1024xf32, #tpu.memory_space<vmem>>) dst(%dma_wait3A_384 : memref<16x1024xf32, #tpu.memory_space<hbm>>)
        %mul3A_389 = arith.constant 16 : i32
        %mul3A_390 = arith.muli %add3A_209, %mul3A_389 : i32
        %multiple_of3A_391 = tpu.assume_multiple %mul3A_390, 16 : i32
        %dma_start3A_392 = arith.constant 3 : i32
        %dma_start3A_393 = arith.constant 0 : i32
        %dma_start3A_394 = arith.constant 0 : i32
        %dma_start3A_395 = tpu.memref_slice %arg6[%dma_start3A_392, %dma_start3A_393, %dma_start3A_394] : memref<4x16x1024xf32, #tpu.memory_space<vmem>> -> memref<1x16x1024xf32, #tpu.memory_space<vmem>>
        %dma_start3A_396 = tpu.memref_squeeze %dma_start3A_395 : memref<1x16x1024xf32, #tpu.memory_space<vmem>> -> memref<16x1024xf32, #tpu.memory_space<vmem>>
        %dma_start3A_397 = tpu.memref_slice %arg5[%multiple_of3A_391] : memref<1024xi32, #tpu.memory_space<vmem>> -> memref<16xi32, #tpu.memory_space<vmem>>
        %dma_start3A_398 = arith.constant 0 : i32
        %dma_start3A_399 = arith.constant 0 : i32
        %dma_start3A_400 = tpu.memref_slice %arg3[%dma_start3A_398, %dma_start3A_399] : memref<8192x1024xf32, #tpu.memory_space<hbm>> -> memref<8192x1024xf32, #tpu.memory_space<hbm>>
        tpu.enqueue_indirect_dma source(%dma_start3A_400 : memref<8192x1024xf32, #tpu.memory_space<hbm>>) target(%dma_start3A_396 : memref<16x1024xf32, #tpu.memory_space<vmem>>) offsets(%dma_start3A_397 : memref<16xi32, #tpu.memory_space<vmem>>) semaphore(%arg10 : memref<!tpu.dma_semaphore, #tpu.memory_space<semaphore_mem>>)
      } else {
      }
      %mul3A_215 = arith.constant 4 : i32
      %mul3A_216 = arith.muli %add3A_166, %mul3A_215 : i32
      %add3A_217 = arith.constant 1 : i32
      %add3A_218 = arith.addi %mul3A_216, %add3A_217 : i32
      %dma_wait3A_219 = arith.constant 1 : i32
      %dma_wait3A_220 = arith.constant 0 : i32
      %dma_wait3A_221 = arith.constant 0 : i32
      %dma_wait3A_222 = tpu.memref_slice %arg6[%dma_wait3A_219, %dma_wait3A_220, %dma_wait3A_221] : memref<4x16x1024xf32, #tpu.memory_space<vmem>> -> memref<1x16x1024xf32, #tpu.memory_space<vmem>>
      %dma_wait3A_223 = tpu.memref_squeeze %dma_wait3A_222 : memref<1x16x1024xf32, #tpu.memory_space<vmem>> -> memref<16x1024xf32, #tpu.memory_space<vmem>>
      %dma_wait3A_224 = arith.constant 0 : i32
      %dma_wait3A_225 = tpu.memref_slice %arg5[%dma_wait3A_224] : memref<1024xi32, #tpu.memory_space<vmem>> -> memref<16xi32, #tpu.memory_space<vmem>>
      %dma_wait3A_226 = arith.constant 0 : i32
      %dma_wait3A_227 = arith.constant 0 : i32
      %dma_wait3A_228 = tpu.memref_slice %arg3[%dma_wait3A_226, %dma_wait3A_227] : memref<8192x1024xf32, #tpu.memory_space<hbm>> -> memref<8192x1024xf32, #tpu.memory_space<hbm>>
      tpu.wait_indirect_dma semaphore(%arg8 : memref<!tpu.dma_semaphore, #tpu.memory_space<semaphore_mem>>) src(%dma_wait3A_228 : memref<8192x1024xf32, #tpu.memory_space<hbm>>) dst(%dma_wait3A_223 : memref<16x1024xf32, #tpu.memory_space<vmem>>)
      %mul3A_229 = arith.constant 16 : i32
      %mul3A_230 = arith.muli %add3A_218, %mul3A_229 : i32
      %multiple_of3A_231 = tpu.assume_multiple %mul3A_230, 16 : i32
      %add3A_232 = arith.addi %mul3A_32, %multiple_of3A_231 : i32
      %dma_start3A_233 = arith.constant 1 : i32
      %dma_start3A_234 = arith.constant 0 : i32
      %dma_start3A_235 = arith.constant 0 : i32
      %dma_start3A_236 = tpu.memref_slice %arg6[%dma_start3A_233, %dma_start3A_234, %dma_start3A_235] : memref<4x16x1024xf32, #tpu.memory_space<vmem>> -> memref<1x16x1024xf32, #tpu.memory_space<vmem>>
      %dma_start3A_237 = tpu.memref_squeeze %dma_start3A_236 : memref<1x16x1024xf32, #tpu.memory_space<vmem>> -> memref<16x1024xf32, #tpu.memory_space<vmem>>
      %dma_start3A_238 = arith.constant 0 : i32
      %dma_start3A_239 = arith.constant 0 : i32
      %dma_start3A_240 = tpu.memref_slice %arg4[%select_n3A, %dma_start3A_238, %dma_start3A_239] : memref<4x8192x1024xf32, #tpu.memory_space<hbm>> -> memref<1x8192x1024xf32, #tpu.memory_space<hbm>>
      %dma_start3A_241 = tpu.memref_squeeze %dma_start3A_240 : memref<1x8192x1024xf32, #tpu.memory_space<hbm>> -> memref<8192x1024xf32, #tpu.memory_space<hbm>>
      %dma_start3A_242 = arith.constant 0 : i32
      %dma_start3A_243 = tpu.memref_slice %dma_start3A_241[%add3A_232, %dma_start3A_242] : memref<8192x1024xf32, #tpu.memory_space<hbm>> -> memref<16x1024xf32, #tpu.memory_space<hbm>>
      %dma_start3A_244 = arith.constant 0 : i32
      %dma_start3A_245 = arith.constant 0 : i32
      %dma_start3A_246 = tpu.memref_slice %arg4[%select_n3A, %dma_start3A_244, %dma_start3A_245] : memref<4x8192x1024xf32, #tpu.memory_space<hbm>> -> memref<1x8192x1024xf32, #tpu.memory_space<hbm>>
      %dma_start3A_247 = tpu.memref_squeeze %dma_start3A_246 : memref<1x8192x1024xf32, #tpu.memory_space<hbm>> -> memref<8192x1024xf32, #tpu.memory_space<hbm>>
      %dma_start3A_248 = arith.constant 0 : i32
      %dma_start3A_249 = tpu.memref_slice %dma_start3A_247[%add3A_232, %dma_start3A_248] : memref<8192x1024xf32, #tpu.memory_space<hbm>> -> memref<16x1024xf32, #tpu.memory_space<hbm>>
      %dma_start3A_250 = arith.constant 0 : i32
      %dma_start3A_251 = arith.constant 0 : i32
      %dma_start3A_252 = tpu.memref_slice %arg6[%dma_start3A_233, %dma_start3A_250, %dma_start3A_251] : memref<4x16x1024xf32, #tpu.memory_space<vmem>> -> memref<1x16x1024xf32, #tpu.memory_space<vmem>>
      %dma_start3A_253 = tpu.memref_squeeze %dma_start3A_252 : memref<1x16x1024xf32, #tpu.memory_space<vmem>> -> memref<16x1024xf32, #tpu.memory_space<vmem>>
      tpu.enqueue_dma source(%dma_start3A_253 : memref<16x1024xf32, #tpu.memory_space<vmem>>) target(%dma_start3A_249 : memref<16x1024xf32, #tpu.memory_space<hbm>>) target_semaphore(%arg12 : memref<!tpu.dma_semaphore, #tpu.memory_space<semaphore_mem>>)
      %sub3A_254 = arith.constant 1 : i32
      %sub3A_255 = arith.subi %add3A_218, %sub3A_254 : i32
      %add3A_256 = arith.constant 4 : i32
      %add3A_257 = arith.addi %sub3A_255, %add3A_256 : i32
      %ge3A_258 = arith.constant 1 : i32
      %ge3A_259 = arith.cmpi sge, %add3A_218, %ge3A_258 : i32
      %lt3A_260 = arith.constant 64 : i32
      %lt3A_261 = arith.cmpi slt, %add3A_257, %lt3A_260 : i32
      %and3A_262 = arith.andi %ge3A_259, %lt3A_261 : i1
      %convert_element_type3A_263 = arith.extui %and3A_262 : i1 to i32
      %cond3A_264 = arith.constant 0 : i32
      %cond3A_265 = arith.cmpi ne, %convert_element_type3A_263, %cond3A_264 : i32
      scf.if %cond3A_265 {
        %dma_wait3A_368 = arith.constant 0 : i32
        %dma_wait3A_369 = arith.constant 0 : i32
        %dma_wait3A_370 = arith.constant 0 : i32
        %dma_wait3A_371 = tpu.memref_slice %arg6[%dma_wait3A_368, %dma_wait3A_369, %dma_wait3A_370] : memref<4x16x1024xf32, #tpu.memory_space<vmem>> -> memref<1x16x1024xf32, #tpu.memory_space<vmem>>
        %dma_wait3A_372 = tpu.memref_squeeze %dma_wait3A_371 : memref<1x16x1024xf32, #tpu.memory_space<vmem>> -> memref<16x1024xf32, #tpu.memory_space<vmem>>
        %dma_wait3A_373 = arith.constant 0 : i32
        %dma_wait3A_374 = arith.constant 0 : i32
        %dma_wait3A_375 = tpu.memref_slice %arg4[%select_n3A, %dma_wait3A_373, %dma_wait3A_374] : memref<4x8192x1024xf32, #tpu.memory_space<hbm>> -> memref<1x8192x1024xf32, #tpu.memory_space<hbm>>
        %dma_wait3A_376 = tpu.memref_squeeze %dma_wait3A_375 : memref<1x8192x1024xf32, #tpu.memory_space<hbm>> -> memref<8192x1024xf32, #tpu.memory_space<hbm>>
        %dma_wait3A_377 = arith.constant 0 : i32
        %dma_wait3A_378 = tpu.memref_slice %dma_wait3A_376[%mul3A_32, %dma_wait3A_377] : memref<8192x1024xf32, #tpu.memory_space<hbm>> -> memref<16x1024xf32, #tpu.memory_space<hbm>>
        %dma_wait3A_379 = arith.constant 0 : i32
        %dma_wait3A_380 = arith.constant 0 : i32
        %dma_wait3A_381 = tpu.memref_slice %arg4[%select_n3A, %dma_wait3A_379, %dma_wait3A_380] : memref<4x8192x1024xf32, #tpu.memory_space<hbm>> -> memref<1x8192x1024xf32, #tpu.memory_space<hbm>>
        %dma_wait3A_382 = tpu.memref_squeeze %dma_wait3A_381 : memref<1x8192x1024xf32, #tpu.memory_space<hbm>> -> memref<8192x1024xf32, #tpu.memory_space<hbm>>
        %dma_wait3A_383 = arith.constant 0 : i32
        %dma_wait3A_384 = tpu.memref_slice %dma_wait3A_382[%mul3A_32, %dma_wait3A_383] : memref<8192x1024xf32, #tpu.memory_space<hbm>> -> memref<16x1024xf32, #tpu.memory_space<hbm>>
        %dma_wait3A_385 = arith.constant 0 : i32
        %dma_wait3A_386 = arith.constant 0 : i32
        %dma_wait3A_387 = tpu.memref_slice %arg6[%dma_wait3A_368, %dma_wait3A_385, %dma_wait3A_386] : memref<4x16x1024xf32, #tpu.memory_space<vmem>> -> memref<1x16x1024xf32, #tpu.memory_space<vmem>>
        %dma_wait3A_388 = tpu.memref_squeeze %dma_wait3A_387 : memref<1x16x1024xf32, #tpu.memory_space<vmem>> -> memref<16x1024xf32, #tpu.memory_space<vmem>>
        tpu.wait_dma2 semaphore(%arg11 : memref<!tpu.dma_semaphore, #tpu.memory_space<semaphore_mem>>) src(%dma_wait3A_388 : memref<16x1024xf32, #tpu.memory_space<vmem>>) dst(%dma_wait3A_384 : memref<16x1024xf32, #tpu.memory_space<hbm>>)
        %mul3A_389 = arith.constant 16 : i32
        %mul3A_390 = arith.muli %add3A_257, %mul3A_389 : i32
        %multiple_of3A_391 = tpu.assume_multiple %mul3A_390, 16 : i32
        %dma_start3A_392 = arith.constant 0 : i32
        %dma_start3A_393 = arith.constant 0 : i32
        %dma_start3A_394 = arith.constant 0 : i32
        %dma_start3A_395 = tpu.memref_slice %arg6[%dma_start3A_392, %dma_start3A_393, %dma_start3A_394] : memref<4x16x1024xf32, #tpu.memory_space<vmem>> -> memref<1x16x1024xf32, #tpu.memory_space<vmem>>
        %dma_start3A_396 = tpu.memref_squeeze %dma_start3A_395 : memref<1x16x1024xf32, #tpu.memory_space<vmem>> -> memref<16x1024xf32, #tpu.memory_space<vmem>>
        %dma_start3A_397 = tpu.memref_slice %arg5[%multiple_of3A_391] : memref<1024xi32, #tpu.memory_space<vmem>> -> memref<16xi32, #tpu.memory_space<vmem>>
        %dma_start3A_398 = arith.constant 0 : i32
        %dma_start3A_399 = arith.constant 0 : i32
        %dma_start3A_400 = tpu.memref_slice %arg3[%dma_start3A_398, %dma_start3A_399] : memref<8192x1024xf32, #tpu.memory_space<hbm>> -> memref<8192x1024xf32, #tpu.memory_space<hbm>>
        tpu.enqueue_indirect_dma source(%dma_start3A_400 : memref<8192x1024xf32, #tpu.memory_space<hbm>>) target(%dma_start3A_396 : memref<16x1024xf32, #tpu.memory_space<vmem>>) offsets(%dma_start3A_397 : memref<16xi32, #tpu.memory_space<vmem>>) semaphore(%arg7 : memref<!tpu.dma_semaphore, #tpu.memory_space<semaphore_mem>>)
      } else {
      }
      %mul3A_266 = arith.constant 4 : i32
      %mul3A_267 = arith.muli %add3A_166, %mul3A_266 : i32
      %add3A_268 = arith.constant 2 : i32
      %add3A_269 = arith.addi %mul3A_267, %add3A_268 : i32
      %dma_wait3A_270 = arith.constant 2 : i32
      %dma_wait3A_271 = arith.constant 0 : i32
      %dma_wait3A_272 = arith.constant 0 : i32
      %dma_wait3A_273 = tpu.memref_slice %arg6[%dma_wait3A_270, %dma_wait3A_271, %dma_wait3A_272] : memref<4x16x1024xf32, #tpu.memory_space<vmem>> -> memref<1x16x1024xf32, #tpu.memory_space<vmem>>
      %dma_wait3A_274 = tpu.memref_squeeze %dma_wait3A_273 : memref<1x16x1024xf32, #tpu.memory_space<vmem>> -> memref<16x1024xf32, #tpu.memory_space<vmem>>
      %dma_wait3A_275 = arith.constant 0 : i32
      %dma_wait3A_276 = tpu.memref_slice %arg5[%dma_wait3A_275] : memref<1024xi32, #tpu.memory_space<vmem>> -> memref<16xi32, #tpu.memory_space<vmem>>
      %dma_wait3A_277 = arith.constant 0 : i32
      %dma_wait3A_278 = arith.constant 0 : i32
      %dma_wait3A_279 = tpu.memref_slice %arg3[%dma_wait3A_277, %dma_wait3A_278] : memref<8192x1024xf32, #tpu.memory_space<hbm>> -> memref<8192x1024xf32, #tpu.memory_space<hbm>>
      tpu.wait_indirect_dma semaphore(%arg9 : memref<!tpu.dma_semaphore, #tpu.memory_space<semaphore_mem>>) src(%dma_wait3A_279 : memref<8192x1024xf32, #tpu.memory_space<hbm>>) dst(%dma_wait3A_274 : memref<16x1024xf32, #tpu.memory_space<vmem>>)
      %mul3A_280 = arith.constant 16 : i32
      %mul3A_281 = arith.muli %add3A_269, %mul3A_280 : i32
      %multiple_of3A_282 = tpu.assume_multiple %mul3A_281, 16 : i32
      %add3A_283 = arith.addi %mul3A_32, %multiple_of3A_282 : i32
      %dma_start3A_284 = arith.constant 2 : i32
      %dma_start3A_285 = arith.constant 0 : i32
      %dma_start3A_286 = arith.constant 0 : i32
      %dma_start3A_287 = tpu.memref_slice %arg6[%dma_start3A_284, %dma_start3A_285, %dma_start3A_286] : memref<4x16x1024xf32, #tpu.memory_space<vmem>> -> memref<1x16x1024xf32, #tpu.memory_space<vmem>>
      %dma_start3A_288 = tpu.memref_squeeze %dma_start3A_287 : memref<1x16x1024xf32, #tpu.memory_space<vmem>> -> memref<16x1024xf32, #tpu.memory_space<vmem>>
      %dma_start3A_289 = arith.constant 0 : i32
      %dma_start3A_290 = arith.constant 0 : i32
      %dma_start3A_291 = tpu.memref_slice %arg4[%select_n3A, %dma_start3A_289, %dma_start3A_290] : memref<4x8192x1024xf32, #tpu.memory_space<hbm>> -> memref<1x8192x1024xf32, #tpu.memory_space<hbm>>
      %dma_start3A_292 = tpu.memref_squeeze %dma_start3A_291 : memref<1x8192x1024xf32, #tpu.memory_space<hbm>> -> memref<8192x1024xf32, #tpu.memory_space<hbm>>
      %dma_start3A_293 = arith.constant 0 : i32
      %dma_start3A_294 = tpu.memref_slice %dma_start3A_292[%add3A_283, %dma_start3A_293] : memref<8192x1024xf32, #tpu.memory_space<hbm>> -> memref<16x1024xf32, #tpu.memory_space<hbm>>
      %dma_start3A_295 = arith.constant 0 : i32
      %dma_start3A_296 = arith.constant 0 : i32
      %dma_start3A_297 = tpu.memref_slice %arg4[%select_n3A, %dma_start3A_295, %dma_start3A_296] : memref<4x8192x1024xf32, #tpu.memory_space<hbm>> -> memref<1x8192x1024xf32, #tpu.memory_space<hbm>>
      %dma_start3A_298 = tpu.memref_squeeze %dma_start3A_297 : memref<1x8192x1024xf32, #tpu.memory_space<hbm>> -> memref<8192x1024xf32, #tpu.memory_space<hbm>>
      %dma_start3A_299 = arith.constant 0 : i32
      %dma_start3A_300 = tpu.memref_slice %dma_start3A_298[%add3A_283, %dma_start3A_299] : memref<8192x1024xf32, #tpu.memory_space<hbm>> -> memref<16x1024xf32, #tpu.memory_space<hbm>>
      %dma_start3A_301 = arith.constant 0 : i32
      %dma_start3A_302 = arith.constant 0 : i32
      %dma_start3A_303 = tpu.memref_slice %arg6[%dma_start3A_284, %dma_start3A_301, %dma_start3A_302] : memref<4x16x1024xf32, #tpu.memory_space<vmem>> -> memref<1x16x1024xf32, #tpu.memory_space<vmem>>
      %dma_start3A_304 = tpu.memref_squeeze %dma_start3A_303 : memref<1x16x1024xf32, #tpu.memory_space<vmem>> -> memref<16x1024xf32, #tpu.memory_space<vmem>>
      tpu.enqueue_dma source(%dma_start3A_304 : memref<16x1024xf32, #tpu.memory_space<vmem>>) target(%dma_start3A_300 : memref<16x1024xf32, #tpu.memory_space<hbm>>) target_semaphore(%arg13 : memref<!tpu.dma_semaphore, #tpu.memory_space<semaphore_mem>>)
      %sub3A_305 = arith.constant 1 : i32
      %sub3A_306 = arith.subi %add3A_269, %sub3A_305 : i32
      %add3A_307 = arith.constant 4 : i32
      %add3A_308 = arith.addi %sub3A_306, %add3A_307 : i32
      %ge3A_309 = arith.constant 1 : i32
      %ge3A_310 = arith.cmpi sge, %add3A_269, %ge3A_309 : i32
      %lt3A_311 = arith.constant 64 : i32
      %lt3A_312 = arith.cmpi slt, %add3A_308, %lt3A_311 : i32
      %and3A_313 = arith.andi %ge3A_310, %lt3A_312 : i1
      %convert_element_type3A_314 = arith.extui %and3A_313 : i1 to i32
      %cond3A_315 = arith.constant 0 : i32
      %cond3A_316 = arith.cmpi ne, %convert_element_type3A_314, %cond3A_315 : i32
      scf.if %cond3A_316 {
        %dma_wait3A_368 = arith.constant 1 : i32
        %dma_wait3A_369 = arith.constant 0 : i32
        %dma_wait3A_370 = arith.constant 0 : i32
        %dma_wait3A_371 = tpu.memref_slice %arg6[%dma_wait3A_368, %dma_wait3A_369, %dma_wait3A_370] : memref<4x16x1024xf32, #tpu.memory_space<vmem>> -> memref<1x16x1024xf32, #tpu.memory_space<vmem>>
        %dma_wait3A_372 = tpu.memref_squeeze %dma_wait3A_371 : memref<1x16x1024xf32, #tpu.memory_space<vmem>> -> memref<16x1024xf32, #tpu.memory_space<vmem>>
        %dma_wait3A_373 = arith.constant 0 : i32
        %dma_wait3A_374 = arith.constant 0 : i32
        %dma_wait3A_375 = tpu.memref_slice %arg4[%select_n3A, %dma_wait3A_373, %dma_wait3A_374] : memref<4x8192x1024xf32, #tpu.memory_space<hbm>> -> memref<1x8192x1024xf32, #tpu.memory_space<hbm>>
        %dma_wait3A_376 = tpu.memref_squeeze %dma_wait3A_375 : memref<1x8192x1024xf32, #tpu.memory_space<hbm>> -> memref<8192x1024xf32, #tpu.memory_space<hbm>>
        %dma_wait3A_377 = arith.constant 0 : i32
        %dma_wait3A_378 = tpu.memref_slice %dma_wait3A_376[%mul3A_32, %dma_wait3A_377] : memref<8192x1024xf32, #tpu.memory_space<hbm>> -> memref<16x1024xf32, #tpu.memory_space<hbm>>
        %dma_wait3A_379 = arith.constant 0 : i32
        %dma_wait3A_380 = arith.constant 0 : i32
        %dma_wait3A_381 = tpu.memref_slice %arg4[%select_n3A, %dma_wait3A_379, %dma_wait3A_380] : memref<4x8192x1024xf32, #tpu.memory_space<hbm>> -> memref<1x8192x1024xf32, #tpu.memory_space<hbm>>
        %dma_wait3A_382 = tpu.memref_squeeze %dma_wait3A_381 : memref<1x8192x1024xf32, #tpu.memory_space<hbm>> -> memref<8192x1024xf32, #tpu.memory_space<hbm>>
        %dma_wait3A_383 = arith.constant 0 : i32
        %dma_wait3A_384 = tpu.memref_slice %dma_wait3A_382[%mul3A_32, %dma_wait3A_383] : memref<8192x1024xf32, #tpu.memory_space<hbm>> -> memref<16x1024xf32, #tpu.memory_space<hbm>>
        %dma_wait3A_385 = arith.constant 0 : i32
        %dma_wait3A_386 = arith.constant 0 : i32
        %dma_wait3A_387 = tpu.memref_slice %arg6[%dma_wait3A_368, %dma_wait3A_385, %dma_wait3A_386] : memref<4x16x1024xf32, #tpu.memory_space<vmem>> -> memref<1x16x1024xf32, #tpu.memory_space<vmem>>
        %dma_wait3A_388 = tpu.memref_squeeze %dma_wait3A_387 : memref<1x16x1024xf32, #tpu.memory_space<vmem>> -> memref<16x1024xf32, #tpu.memory_space<vmem>>
        tpu.wait_dma2 semaphore(%arg12 : memref<!tpu.dma_semaphore, #tpu.memory_space<semaphore_mem>>) src(%dma_wait3A_388 : memref<16x1024xf32, #tpu.memory_space<vmem>>) dst(%dma_wait3A_384 : memref<16x1024xf32, #tpu.memory_space<hbm>>)
        %mul3A_389 = arith.constant 16 : i32
        %mul3A_390 = arith.muli %add3A_308, %mul3A_389 : i32
        %multiple_of3A_391 = tpu.assume_multiple %mul3A_390, 16 : i32
        %dma_start3A_392 = arith.constant 1 : i32
        %dma_start3A_393 = arith.constant 0 : i32
        %dma_start3A_394 = arith.constant 0 : i32
        %dma_start3A_395 = tpu.memref_slice %arg6[%dma_start3A_392, %dma_start3A_393, %dma_start3A_394] : memref<4x16x1024xf32, #tpu.memory_space<vmem>> -> memref<1x16x1024xf32, #tpu.memory_space<vmem>>
        %dma_start3A_396 = tpu.memref_squeeze %dma_start3A_395 : memref<1x16x1024xf32, #tpu.memory_space<vmem>> -> memref<16x1024xf32, #tpu.memory_space<vmem>>
        %dma_start3A_397 = tpu.memref_slice %arg5[%multiple_of3A_391] : memref<1024xi32, #tpu.memory_space<vmem>> -> memref<16xi32, #tpu.memory_space<vmem>>
        %dma_start3A_398 = arith.constant 0 : i32
        %dma_start3A_399 = arith.constant 0 : i32
        %dma_start3A_400 = tpu.memref_slice %arg3[%dma_start3A_398, %dma_start3A_399] : memref<8192x1024xf32, #tpu.memory_space<hbm>> -> memref<8192x1024xf32, #tpu.memory_space<hbm>>
        tpu.enqueue_indirect_dma source(%dma_start3A_400 : memref<8192x1024xf32, #tpu.memory_space<hbm>>) target(%dma_start3A_396 : memref<16x1024xf32, #tpu.memory_space<vmem>>) offsets(%dma_start3A_397 : memref<16xi32, #tpu.memory_space<vmem>>) semaphore(%arg8 : memref<!tpu.dma_semaphore, #tpu.memory_space<semaphore_mem>>)
      } else {
      }
      %mul3A_317 = arith.constant 4 : i32
      %mul3A_318 = arith.muli %add3A_166, %mul3A_317 : i32
      %add3A_319 = arith.constant 3 : i32
      %add3A_320 = arith.addi %mul3A_318, %add3A_319 : i32
      %dma_wait3A_321 = arith.constant 3 : i32
      %dma_wait3A_322 = arith.constant 0 : i32
      %dma_wait3A_323 = arith.constant 0 : i32
      %dma_wait3A_324 = tpu.memref_slice %arg6[%dma_wait3A_321, %dma_wait3A_322, %dma_wait3A_323] : memref<4x16x1024xf32, #tpu.memory_space<vmem>> -> memref<1x16x1024xf32, #tpu.memory_space<vmem>>
      %dma_wait3A_325 = tpu.memref_squeeze %dma_wait3A_324 : memref<1x16x1024xf32, #tpu.memory_space<vmem>> -> memref<16x1024xf32, #tpu.memory_space<vmem>>
      %dma_wait3A_326 = arith.constant 0 : i32
      %dma_wait3A_327 = tpu.memref_slice %arg5[%dma_wait3A_326] : memref<1024xi32, #tpu.memory_space<vmem>> -> memref<16xi32, #tpu.memory_space<vmem>>
      %dma_wait3A_328 = arith.constant 0 : i32
      %dma_wait3A_329 = arith.constant 0 : i32
      %dma_wait3A_330 = tpu.memref_slice %arg3[%dma_wait3A_328, %dma_wait3A_329] : memref<8192x1024xf32, #tpu.memory_space<hbm>> -> memref<8192x1024xf32, #tpu.memory_space<hbm>>
      tpu.wait_indirect_dma semaphore(%arg10 : memref<!tpu.dma_semaphore, #tpu.memory_space<semaphore_mem>>) src(%dma_wait3A_330 : memref<8192x1024xf32, #tpu.memory_space<hbm>>) dst(%dma_wait3A_325 : memref<16x1024xf32, #tpu.memory_space<vmem>>)
      %mul3A_331 = arith.constant 16 : i32
      %mul3A_332 = arith.muli %add3A_320, %mul3A_331 : i32
      %multiple_of3A_333 = tpu.assume_multiple %mul3A_332, 16 : i32
      %add3A_334 = arith.addi %mul3A_32, %multiple_of3A_333 : i32
      %dma_start3A_335 = arith.constant 3 : i32
      %dma_start3A_336 = arith.constant 0 : i32
      %dma_start3A_337 = arith.constant 0 : i32
      %dma_start3A_338 = tpu.memref_slice %arg6[%dma_start3A_335, %dma_start3A_336, %dma_start3A_337] : memref<4x16x1024xf32, #tpu.memory_space<vmem>> -> memref<1x16x1024xf32, #tpu.memory_space<vmem>>
      %dma_start3A_339 = tpu.memref_squeeze %dma_start3A_338 : memref<1x16x1024xf32, #tpu.memory_space<vmem>> -> memref<16x1024xf32, #tpu.memory_space<vmem>>
      %dma_start3A_340 = arith.constant 0 : i32
      %dma_start3A_341 = arith.constant 0 : i32
      %dma_start3A_342 = tpu.memref_slice %arg4[%select_n3A, %dma_start3A_340, %dma_start3A_341] : memref<4x8192x1024xf32, #tpu.memory_space<hbm>> -> memref<1x8192x1024xf32, #tpu.memory_space<hbm>>
      %dma_start3A_343 = tpu.memref_squeeze %dma_start3A_342 : memref<1x8192x1024xf32, #tpu.memory_space<hbm>> -> memref<8192x1024xf32, #tpu.memory_space<hbm>>
      %dma_start3A_344 = arith.constant 0 : i32
      %dma_start3A_345 = tpu.memref_slice %dma_start3A_343[%add3A_334, %dma_start3A_344] : memref<8192x1024xf32, #tpu.memory_space<hbm>> -> memref<16x1024xf32, #tpu.memory_space<hbm>>
      %dma_start3A_346 = arith.constant 0 : i32
      %dma_start3A_347 = arith.constant 0 : i32
      %dma_start3A_348 = tpu.memref_slice %arg4[%select_n3A, %dma_start3A_346, %dma_start3A_347] : memref<4x8192x1024xf32, #tpu.memory_space<hbm>> -> memref<1x8192x1024xf32, #tpu.memory_space<hbm>>
      %dma_start3A_349 = tpu.memref_squeeze %dma_start3A_348 : memref<1x8192x1024xf32, #tpu.memory_space<hbm>> -> memref<8192x1024xf32, #tpu.memory_space<hbm>>
      %dma_start3A_350 = arith.constant 0 : i32
      %dma_start3A_351 = tpu.memref_slice %dma_start3A_349[%add3A_334, %dma_start3A_350] : memref<8192x1024xf32, #tpu.memory_space<hbm>> -> memref<16x1024xf32, #tpu.memory_space<hbm>>
      %dma_start3A_352 = arith.constant 0 : i32
      %dma_start3A_353 = arith.constant 0 : i32
      %dma_start3A_354 = tpu.memref_slice %arg6[%dma_start3A_335, %dma_start3A_352, %dma_start3A_353] : memref<4x16x1024xf32, #tpu.memory_space<vmem>> -> memref<1x16x1024xf32, #tpu.memory_space<vmem>>
      %dma_start3A_355 = tpu.memref_squeeze %dma_start3A_354 : memref<1x16x1024xf32, #tpu.memory_space<vmem>> -> memref<16x1024xf32, #tpu.memory_space<vmem>>
      tpu.enqueue_dma source(%dma_start3A_355 : memref<16x1024xf32, #tpu.memory_space<vmem>>) target(%dma_start3A_351 : memref<16x1024xf32, #tpu.memory_space<hbm>>) target_semaphore(%arg14 : memref<!tpu.dma_semaphore, #tpu.memory_space<semaphore_mem>>)
      %sub3A_356 = arith.constant 1 : i32
      %sub3A_357 = arith.subi %add3A_320, %sub3A_356 : i32
      %add3A_358 = arith.constant 4 : i32
      %add3A_359 = arith.addi %sub3A_357, %add3A_358 : i32
      %ge3A_360 = arith.constant 1 : i32
      %ge3A_361 = arith.cmpi sge, %add3A_320, %ge3A_360 : i32
      %lt3A_362 = arith.constant 64 : i32
      %lt3A_363 = arith.cmpi slt, %add3A_359, %lt3A_362 : i32
      %and3A_364 = arith.andi %ge3A_361, %lt3A_363 : i1
      %convert_element_type3A_365 = arith.extui %and3A_364 : i1 to i32
      %cond3A_366 = arith.constant 0 : i32
      %cond3A_367 = arith.cmpi ne, %convert_element_type3A_365, %cond3A_366 : i32
      scf.if %cond3A_367 {
        %dma_wait3A_368 = arith.constant 2 : i32
        %dma_wait3A_369 = arith.constant 0 : i32
        %dma_wait3A_370 = arith.constant 0 : i32
        %dma_wait3A_371 = tpu.memref_slice %arg6[%dma_wait3A_368, %dma_wait3A_369, %dma_wait3A_370] : memref<4x16x1024xf32, #tpu.memory_space<vmem>> -> memref<1x16x1024xf32, #tpu.memory_space<vmem>>
        %dma_wait3A_372 = tpu.memref_squeeze %dma_wait3A_371 : memref<1x16x1024xf32, #tpu.memory_space<vmem>> -> memref<16x1024xf32, #tpu.memory_space<vmem>>
        %dma_wait3A_373 = arith.constant 0 : i32
        %dma_wait3A_374 = arith.constant 0 : i32
        %dma_wait3A_375 = tpu.memref_slice %arg4[%select_n3A, %dma_wait3A_373, %dma_wait3A_374] : memref<4x8192x1024xf32, #tpu.memory_space<hbm>> -> memref<1x8192x1024xf32, #tpu.memory_space<hbm>>
        %dma_wait3A_376 = tpu.memref_squeeze %dma_wait3A_375 : memref<1x8192x1024xf32, #tpu.memory_space<hbm>> -> memref<8192x1024xf32, #tpu.memory_space<hbm>>
        %dma_wait3A_377 = arith.constant 0 : i32
        %dma_wait3A_378 = tpu.memref_slice %dma_wait3A_376[%mul3A_32, %dma_wait3A_377] : memref<8192x1024xf32, #tpu.memory_space<hbm>> -> memref<16x1024xf32, #tpu.memory_space<hbm>>
        %dma_wait3A_379 = arith.constant 0 : i32
        %dma_wait3A_380 = arith.constant 0 : i32
        %dma_wait3A_381 = tpu.memref_slice %arg4[%select_n3A, %dma_wait3A_379, %dma_wait3A_380] : memref<4x8192x1024xf32, #tpu.memory_space<hbm>> -> memref<1x8192x1024xf32, #tpu.memory_space<hbm>>
        %dma_wait3A_382 = tpu.memref_squeeze %dma_wait3A_381 : memref<1x8192x1024xf32, #tpu.memory_space<hbm>> -> memref<8192x1024xf32, #tpu.memory_space<hbm>>
        %dma_wait3A_383 = arith.constant 0 : i32
        %dma_wait3A_384 = tpu.memref_slice %dma_wait3A_382[%mul3A_32, %dma_wait3A_383] : memref<8192x1024xf32, #tpu.memory_space<hbm>> -> memref<16x1024xf32, #tpu.memory_space<hbm>>
        %dma_wait3A_385 = arith.constant 0 : i32
        %dma_wait3A_386 = arith.constant 0 : i32
        %dma_wait3A_387 = tpu.memref_slice %arg6[%dma_wait3A_368, %dma_wait3A_385, %dma_wait3A_386] : memref<4x16x1024xf32, #tpu.memory_space<vmem>> -> memref<1x16x1024xf32, #tpu.memory_space<vmem>>
        %dma_wait3A_388 = tpu.memref_squeeze %dma_wait3A_387 : memref<1x16x1024xf32, #tpu.memory_space<vmem>> -> memref<16x1024xf32, #tpu.memory_space<vmem>>
        tpu.wait_dma2 semaphore(%arg13 : memref<!tpu.dma_semaphore, #tpu.memory_space<semaphore_mem>>) src(%dma_wait3A_388 : memref<16x1024xf32, #tpu.memory_space<vmem>>) dst(%dma_wait3A_384 : memref<16x1024xf32, #tpu.memory_space<hbm>>)
        %mul3A_389 = arith.constant 16 : i32
        %mul3A_390 = arith.muli %add3A_359, %mul3A_389 : i32
        %multiple_of3A_391 = tpu.assume_multiple %mul3A_390, 16 : i32
        %dma_start3A_392 = arith.constant 2 : i32
        %dma_start3A_393 = arith.constant 0 : i32
        %dma_start3A_394 = arith.constant 0 : i32
        %dma_start3A_395 = tpu.memref_slice %arg6[%dma_start3A_392, %dma_start3A_393, %dma_start3A_394] : memref<4x16x1024xf32, #tpu.memory_space<vmem>> -> memref<1x16x1024xf32, #tpu.memory_space<vmem>>
        %dma_start3A_396 = tpu.memref_squeeze %dma_start3A_395 : memref<1x16x1024xf32, #tpu.memory_space<vmem>> -> memref<16x1024xf32, #tpu.memory_space<vmem>>
        %dma_start3A_397 = tpu.memref_slice %arg5[%multiple_of3A_391] : memref<1024xi32, #tpu.memory_space<vmem>> -> memref<16xi32, #tpu.memory_space<vmem>>
        %dma_start3A_398 = arith.constant 0 : i32
        %dma_start3A_399 = arith.constant 0 : i32
        %dma_start3A_400 = tpu.memref_slice %arg3[%dma_start3A_398, %dma_start3A_399] : memref<8192x1024xf32, #tpu.memory_space<hbm>> -> memref<8192x1024xf32, #tpu.memory_space<hbm>>
        tpu.enqueue_indirect_dma source(%dma_start3A_400 : memref<8192x1024xf32, #tpu.memory_space<hbm>>) target(%dma_start3A_396 : memref<16x1024xf32, #tpu.memory_space<vmem>>) offsets(%dma_start3A_397 : memref<16xi32, #tpu.memory_space<vmem>>) semaphore(%arg9 : memref<!tpu.dma_semaphore, #tpu.memory_space<semaphore_mem>>)
      } else {
      }
    }
    %scan3A_78 = arith.constant 16 : i32
    %dma_wait3A = arith.constant 0 : i32
    %dma_wait3A_79 = arith.constant 0 : i32
    %dma_wait3A_80 = arith.constant 0 : i32
    %dma_wait3A_81 = tpu.memref_slice %arg6[%dma_wait3A, %dma_wait3A_79, %dma_wait3A_80] : memref<4x16x1024xf32, #tpu.memory_space<vmem>> -> memref<1x16x1024xf32, #tpu.memory_space<vmem>>
    %dma_wait3A_82 = tpu.memref_squeeze %dma_wait3A_81 : memref<1x16x1024xf32, #tpu.memory_space<vmem>> -> memref<16x1024xf32, #tpu.memory_space<vmem>>
    %dma_wait3A_83 = arith.constant 0 : i32
    %dma_wait3A_84 = arith.constant 0 : i32
    %dma_wait3A_85 = tpu.memref_slice %arg4[%select_n3A, %dma_wait3A_83, %dma_wait3A_84] : memref<4x8192x1024xf32, #tpu.memory_space<hbm>> -> memref<1x8192x1024xf32, #tpu.memory_space<hbm>>
    %dma_wait3A_86 = tpu.memref_squeeze %dma_wait3A_85 : memref<1x8192x1024xf32, #tpu.memory_space<hbm>> -> memref<8192x1024xf32, #tpu.memory_space<hbm>>
    %dma_wait3A_87 = arith.constant 0 : i32
    %dma_wait3A_88 = tpu.memref_slice %dma_wait3A_86[%mul3A_32, %dma_wait3A_87] : memref<8192x1024xf32, #tpu.memory_space<hbm>> -> memref<16x1024xf32, #tpu.memory_space<hbm>>
    %dma_wait3A_89 = arith.constant 0 : i32
    %dma_wait3A_90 = arith.constant 0 : i32
    %dma_wait3A_91 = tpu.memref_slice %arg4[%select_n3A, %dma_wait3A_89, %dma_wait3A_90] : memref<4x8192x1024xf32, #tpu.memory_space<hbm>> -> memref<1x8192x1024xf32, #tpu.memory_space<hbm>>
    %dma_wait3A_92 = tpu.memref_squeeze %dma_wait3A_91 : memref<1x8192x1024xf32, #tpu.memory_space<hbm>> -> memref<8192x1024xf32, #tpu.memory_space<hbm>>
    %dma_wait3A_93 = arith.constant 0 : i32
    %dma_wait3A_94 = tpu.memref_slice %dma_wait3A_92[%mul3A_32, %dma_wait3A_93] : memref<8192x1024xf32, #tpu.memory_space<hbm>> -> memref<16x1024xf32, #tpu.memory_space<hbm>>
    %dma_wait3A_95 = arith.constant 0 : i32
    %dma_wait3A_96 = arith.constant 0 : i32
    %dma_wait3A_97 = tpu.memref_slice %arg6[%dma_wait3A, %dma_wait3A_95, %dma_wait3A_96] : memref<4x16x1024xf32, #tpu.memory_space<vmem>> -> memref<1x16x1024xf32, #tpu.memory_space<vmem>>
    %dma_wait3A_98 = tpu.memref_squeeze %dma_wait3A_97 : memref<1x16x1024xf32, #tpu.memory_space<vmem>> -> memref<16x1024xf32, #tpu.memory_space<vmem>>
    tpu.wait_dma2 semaphore(%arg11 : memref<!tpu.dma_semaphore, #tpu.memory_space<semaphore_mem>>) src(%dma_wait3A_98 : memref<16x1024xf32, #tpu.memory_space<vmem>>) dst(%dma_wait3A_94 : memref<16x1024xf32, #tpu.memory_space<hbm>>)
    %dma_wait3A_99 = arith.constant 1 : i32
    %dma_wait3A_100 = arith.constant 0 : i32
    %dma_wait3A_101 = arith.constant 0 : i32
    %dma_wait3A_102 = tpu.memref_slice %arg6[%dma_wait3A_99, %dma_wait3A_100, %dma_wait3A_101] : memref<4x16x1024xf32, #tpu.memory_space<vmem>> -> memref<1x16x1024xf32, #tpu.memory_space<vmem>>
    %dma_wait3A_103 = tpu.memref_squeeze %dma_wait3A_102 : memref<1x16x1024xf32, #tpu.memory_space<vmem>> -> memref<16x1024xf32, #tpu.memory_space<vmem>>
    %dma_wait3A_104 = arith.constant 0 : i32
    %dma_wait3A_105 = arith.constant 0 : i32
    %dma_wait3A_106 = tpu.memref_slice %arg4[%select_n3A, %dma_wait3A_104, %dma_wait3A_105] : memref<4x8192x1024xf32, #tpu.memory_space<hbm>> -> memref<1x8192x1024xf32, #tpu.memory_space<hbm>>
    %dma_wait3A_107 = tpu.memref_squeeze %dma_wait3A_106 : memref<1x8192x1024xf32, #tpu.memory_space<hbm>> -> memref<8192x1024xf32, #tpu.memory_space<hbm>>
    %dma_wait3A_108 = arith.constant 0 : i32
    %dma_wait3A_109 = tpu.memref_slice %dma_wait3A_107[%mul3A_32, %dma_wait3A_108] : memref<8192x1024xf32, #tpu.memory_space<hbm>> -> memref<16x1024xf32, #tpu.memory_space<hbm>>
    %dma_wait3A_110 = arith.constant 0 : i32
    %dma_wait3A_111 = arith.constant 0 : i32
    %dma_wait3A_112 = tpu.memref_slice %arg4[%select_n3A, %dma_wait3A_110, %dma_wait3A_111] : memref<4x8192x1024xf32, #tpu.memory_space<hbm>> -> memref<1x8192x1024xf32, #tpu.memory_space<hbm>>
    %dma_wait3A_113 = tpu.memref_squeeze %dma_wait3A_112 : memref<1x8192x1024xf32, #tpu.memory_space<hbm>> -> memref<8192x1024xf32, #tpu.memory_space<hbm>>
    %dma_wait3A_114 = arith.constant 0 : i32
    %dma_wait3A_115 = tpu.memref_slice %dma_wait3A_113[%mul3A_32, %dma_wait3A_114] : memref<8192x1024xf32, #tpu.memory_space<hbm>> -> memref<16x1024xf32, #tpu.memory_space<hbm>>
    %dma_wait3A_116 = arith.constant 0 : i32
    %dma_wait3A_117 = arith.constant 0 : i32
    %dma_wait3A_118 = tpu.memref_slice %arg6[%dma_wait3A_99, %dma_wait3A_116, %dma_wait3A_117] : memref<4x16x1024xf32, #tpu.memory_space<vmem>> -> memref<1x16x1024xf32, #tpu.memory_space<vmem>>
    %dma_wait3A_119 = tpu.memref_squeeze %dma_wait3A_118 : memref<1x16x1024xf32, #tpu.memory_space<vmem>> -> memref<16x1024xf32, #tpu.memory_space<vmem>>
    tpu.wait_dma2 semaphore(%arg12 : memref<!tpu.dma_semaphore, #tpu.memory_space<semaphore_mem>>) src(%dma_wait3A_119 : memref<16x1024xf32, #tpu.memory_space<vmem>>) dst(%dma_wait3A_115 : memref<16x1024xf32, #tpu.memory_space<hbm>>)
    %dma_wait3A_120 = arith.constant 2 : i32
    %dma_wait3A_121 = arith.constant 0 : i32
    %dma_wait3A_122 = arith.constant 0 : i32
    %dma_wait3A_123 = tpu.memref_slice %arg6[%dma_wait3A_120, %dma_wait3A_121, %dma_wait3A_122] : memref<4x16x1024xf32, #tpu.memory_space<vmem>> -> memref<1x16x1024xf32, #tpu.memory_space<vmem>>
    %dma_wait3A_124 = tpu.memref_squeeze %dma_wait3A_123 : memref<1x16x1024xf32, #tpu.memory_space<vmem>> -> memref<16x1024xf32, #tpu.memory_space<vmem>>
    %dma_wait3A_125 = arith.constant 0 : i32
    %dma_wait3A_126 = arith.constant 0 : i32
    %dma_wait3A_127 = tpu.memref_slice %arg4[%select_n3A, %dma_wait3A_125, %dma_wait3A_126] : memref<4x8192x1024xf32, #tpu.memory_space<hbm>> -> memref<1x8192x1024xf32, #tpu.memory_space<hbm>>
    %dma_wait3A_128 = tpu.memref_squeeze %dma_wait3A_127 : memref<1x8192x1024xf32, #tpu.memory_space<hbm>> -> memref<8192x1024xf32, #tpu.memory_space<hbm>>
    %dma_wait3A_129 = arith.constant 0 : i32
    %dma_wait3A_130 = tpu.memref_slice %dma_wait3A_128[%mul3A_32, %dma_wait3A_129] : memref<8192x1024xf32, #tpu.memory_space<hbm>> -> memref<16x1024xf32, #tpu.memory_space<hbm>>
    %dma_wait3A_131 = arith.constant 0 : i32
    %dma_wait3A_132 = arith.constant 0 : i32
    %dma_wait3A_133 = tpu.memref_slice %arg4[%select_n3A, %dma_wait3A_131, %dma_wait3A_132] : memref<4x8192x1024xf32, #tpu.memory_space<hbm>> -> memref<1x8192x1024xf32, #tpu.memory_space<hbm>>
    %dma_wait3A_134 = tpu.memref_squeeze %dma_wait3A_133 : memref<1x8192x1024xf32, #tpu.memory_space<hbm>> -> memref<8192x1024xf32, #tpu.memory_space<hbm>>
    %dma_wait3A_135 = arith.constant 0 : i32
    %dma_wait3A_136 = tpu.memref_slice %dma_wait3A_134[%mul3A_32, %dma_wait3A_135] : memref<8192x1024xf32, #tpu.memory_space<hbm>> -> memref<16x1024xf32, #tpu.memory_space<hbm>>
    %dma_wait3A_137 = arith.constant 0 : i32
    %dma_wait3A_138 = arith.constant 0 : i32
    %dma_wait3A_139 = tpu.memref_slice %arg6[%dma_wait3A_120, %dma_wait3A_137, %dma_wait3A_138] : memref<4x16x1024xf32, #tpu.memory_space<vmem>> -> memref<1x16x1024xf32, #tpu.memory_space<vmem>>
    %dma_wait3A_140 = tpu.memref_squeeze %dma_wait3A_139 : memref<1x16x1024xf32, #tpu.memory_space<vmem>> -> memref<16x1024xf32, #tpu.memory_space<vmem>>
    tpu.wait_dma2 semaphore(%arg13 : memref<!tpu.dma_semaphore, #tpu.memory_space<semaphore_mem>>) src(%dma_wait3A_140 : memref<16x1024xf32, #tpu.memory_space<vmem>>) dst(%dma_wait3A_136 : memref<16x1024xf32, #tpu.memory_space<hbm>>)
    %dma_wait3A_141 = arith.constant 3 : i32
    %dma_wait3A_142 = arith.constant 0 : i32
    %dma_wait3A_143 = arith.constant 0 : i32
    %dma_wait3A_144 = tpu.memref_slice %arg6[%dma_wait3A_141, %dma_wait3A_142, %dma_wait3A_143] : memref<4x16x1024xf32, #tpu.memory_space<vmem>> -> memref<1x16x1024xf32, #tpu.memory_space<vmem>>
    %dma_wait3A_145 = tpu.memref_squeeze %dma_wait3A_144 : memref<1x16x1024xf32, #tpu.memory_space<vmem>> -> memref<16x1024xf32, #tpu.memory_space<vmem>>
    %dma_wait3A_146 = arith.constant 0 : i32
    %dma_wait3A_147 = arith.constant 0 : i32
    %dma_wait3A_148 = tpu.memref_slice %arg4[%select_n3A, %dma_wait3A_146, %dma_wait3A_147] : memref<4x8192x1024xf32, #tpu.memory_space<hbm>> -> memref<1x8192x1024xf32, #tpu.memory_space<hbm>>
    %dma_wait3A_149 = tpu.memref_squeeze %dma_wait3A_148 : memref<1x8192x1024xf32, #tpu.memory_space<hbm>> -> memref<8192x1024xf32, #tpu.memory_space<hbm>>
    %dma_wait3A_150 = arith.constant 0 : i32
    %dma_wait3A_151 = tpu.memref_slice %dma_wait3A_149[%mul3A_32, %dma_wait3A_150] : memref<8192x1024xf32, #tpu.memory_space<hbm>> -> memref<16x1024xf32, #tpu.memory_space<hbm>>
    %dma_wait3A_152 = arith.constant 0 : i32
    %dma_wait3A_153 = arith.constant 0 : i32
    %dma_wait3A_154 = tpu.memref_slice %arg4[%select_n3A, %dma_wait3A_152, %dma_wait3A_153] : memref<4x8192x1024xf32, #tpu.memory_space<hbm>> -> memref<1x8192x1024xf32, #tpu.memory_space<hbm>>
    %dma_wait3A_155 = tpu.memref_squeeze %dma_wait3A_154 : memref<1x8192x1024xf32, #tpu.memory_space<hbm>> -> memref<8192x1024xf32, #tpu.memory_space<hbm>>
    %dma_wait3A_156 = arith.constant 0 : i32
    %dma_wait3A_157 = tpu.memref_slice %dma_wait3A_155[%mul3A_32, %dma_wait3A_156] : memref<8192x1024xf32, #tpu.memory_space<hbm>> -> memref<16x1024xf32, #tpu.memory_space<hbm>>
    %dma_wait3A_158 = arith.constant 0 : i32
    %dma_wait3A_159 = arith.constant 0 : i32
    %dma_wait3A_160 = tpu.memref_slice %arg6[%dma_wait3A_141, %dma_wait3A_158, %dma_wait3A_159] : memref<4x16x1024xf32, #tpu.memory_space<vmem>> -> memref<1x16x1024xf32, #tpu.memory_space<vmem>>
    %dma_wait3A_161 = tpu.memref_squeeze %dma_wait3A_160 : memref<1x16x1024xf32, #tpu.memory_space<vmem>> -> memref<16x1024xf32, #tpu.memory_space<vmem>>
    tpu.wait_dma2 semaphore(%arg14 : memref<!tpu.dma_semaphore, #tpu.memory_space<semaphore_mem>>) src(%dma_wait3A_161 : memref<16x1024xf32, #tpu.memory_space<vmem>>) dst(%dma_wait3A_157 : memref<16x1024xf32, #tpu.memory_space<hbm>>)
    return
  }
}

</mosaic_0001>

<sc_bundles>
// kernel: _gather_rows.3.cloned.1.call-start
scs
__scs_entry_jumppad:
0x0: {  	(pc) =	sbr.rel $0x88, $3  }
0x1: {  	(tag) =	ssettag $0x0;
	lr =	simm.s32 $0x1  }
0x2: {  	[smem:$0x3F9F] =	sst lr;
	_ =	strace $0xD0000000  }
0x3: {  	_ = 	snop  }
0x4: {  	_ = 	snop  }
0x5: {  	_ = 	snop  }
0x6: {  	_ = 	snop  }
0x7: {  	_ = 	snop  }
__scs_overlays_trampoline_lowered:
0x8: {  	[smem:$0x3FAE] =	sst s0  }
0x9: {  	[smem:$0x3FAF] =	sst s1  }
0xa: {  	[smem:$0x3FB0] =	sst s2  }
0xb: {  	[smem:$0x3FB1] =	sst s3  }
0xc: {  	[smem:$0x3FB2] =	sst s4  }
0xd: {  	[smem:$0x3FB3] =	sst s5  }
0xe: {  	[smem:$0x3FB4] =	sst s6  }
0xf: {  	[smem:$0x3FB5] =	sst s7  }
0x10: {  	[smem:$0x3FB6] =	sst s8  }
0x11: {  	[smem:$0x3FB7] =	sst s9;
	s0 =	simm.s32 @!p0 $0x0  }
0x12: {  	s1 =	sld [smem:$0x3F9D];
	s0 =	simm.s32 @p0 $0x1  }
0x13: {  	[smem:$0x3FB8] =	sst s0;
	s0 =	simm.s32 @!p1 $0x0  }
0x14: {  	s2 =	sld [smem:$0x3F9C];
	s0 =	simm.s32 @p1 $0x1  }
0x15: {  	[smem:$0x3FB9] =	sst s0;
	s0 =	simm.s32 @!p2 $0x0  }
0x16: {  	s3 =	sld [smem:$0x3FDB];
	s0 =	simm.s32 @p2 $0x1  }
0x17: {  	s4 =	simm.s32 $0x1BF5;
	[smem:$0x3FBB] =	sst s0  }
0x18: {  	s0 =	sld [smem:$0x3F9E];
	_ =	swait.ge [sflag:s4], $0x0  }
0x19: {  	s7 =	sld [smem:$0x3F9F]  }
0x1a: {  	s8 =	sadd.s32 $0xFFFFE003, lr  }
0x1b: {  	s9 =	sadd.s32 $0xFFFFFEF7, lr;
	s5 =	simm.s32 $0xFFFFFFFF;
	p2 =	slt.u32 s8, $0xFFFFF086  }
0x1c: {  	p1 =	slt.u32 s9, $0xF7A;
	s5 =	simm.s32 @!p2 $0x0  }
0x1d: {  	s5 =	simm.s32 @p1 $0x1;
	p0 =	seq.s32 s7, s2  }
0x1e: {  	s7 =	smul.u32 @!p0 $0xF7A, s2;
	p2 =	seq.s32 @!p0 s5, $0x0  }
0x1f: {  	s9 =	smul.u32 $0xF7A, s1;
	s8 =	simm.s32 @!p0 $0x1BF5;
	p2 =	por !p2, p0  }
0x20: {  	[sflag:s8] =	ssyncset.s32 @!p0 $0xFFFFF086;
	s6 =	sadd.s32 @!p0 s3, s7;
	s7 =	simm.s32 @!p0 $0x108  }
0x21: {  	s3 =	sadd.s32 s3, s9;
	s6 =	sadd.s32 @!p0 $0x88, s6;
	s7 =	simm.s32 @p2 $0x1082  }
0x22: {  	[simem:s7], [sflag:s8] =	dma.local @!p0 [hbm:s6], $0xF7A  }
0x23: {  	s9 =	sor.u32 $0xD0000000, s2;
	s6 =	simm.s32 $0x108;
	_ =	swait.ge @!p0 [sflag:s8], $0x0  }
0x24: {  	s3 =	sadd.s32 $0x88, s3;
	s6 =	simm.s32 @!p1 $0x1082;
	[sflag:s4] =	ssyncset.s32 $0xFFFFF086  }
0x25: {  	[simem:s6], [sflag:s4] =	dma.local [hbm:s3], $0xF7A  }
0x26: {  	[smem:$0x3F9F] =	sst s1;
	(tag) =	ssettag s2;
	_ =	strace s9  }
0x27: {  	s1 =	sld [smem:$0x3FAF]  }
0x28: {  	s2 =	sld [smem:$0x3FB0]  }
0x29: {  	s4 =	sld [smem:$0x3FB2]  }
0x2a: {  	p0 =	seq.s32 s5, $0x0;
	s5 =	sld [smem:$0x3FB3]  }
0x2b: {  	s6 =	sld [smem:$0x3FB4]  }
0x2c: {  	s7 =	sld [smem:$0x3FB5]  }
0x2d: {  	s3 =	simm.s32 $0x108;
	s8 =	sld [smem:$0x3FB6]  }
0x2e: {  	s3 =	simm.s32 @!p0 $0x1082;
	s9 =	sld [smem:$0x3FB7]  }
0x2f: {  	lr =	sadd.s32 s0, s3;
	s0 =	sld [smem:$0x3FAE]  }
0x30: {  	s3 =	sld [smem:$0x3FB1]  }
0x31: {  	[smem:$0x3FBA] =	sst s10  }
0x32: {  	s10 =	sld [smem:$0x3FB8];
	_ =	sdelay $0x3  }
0x33: {  	p0 =	seq.s32 s10, $0x1;
	s10 =	sld [smem:$0x3FBA];
	_ =	sdelay $0x3  }
0x34: {  	[smem:$0x3FBA] =	sst s10  }
0x35: {  	s10 =	sld [smem:$0x3FB9];
	_ =	sdelay $0x3  }
0x36: {  	p1 =	seq.s32 s10, $0x1;
	s10 =	sld [smem:$0x3FBA];
	_ =	sdelay $0x3  }
0x37: {  	[smem:$0x3FBA] =	sst s10  }
0x38: {  	s10 =	sld [smem:$0x3FBB]  }
0x39: {  	_ = 	snop;
	(pc) =	sbr.ind lr, $3  }
0x3a: {  	_ = 	snop  }
0x3b: {  	_ = 	snop  }
0x3c: {  	p2 =	seq.s32 s10, $0x1;
	s10 =	sld [smem:$0x3FBA]  }
0x3d: {  	_ =	shalt  }
0x3e: {  	_ =	shalt  }
0x3f: {  	_ =	shalt  }
0x40: {  	_ =	shalt  }
0x41: {  	_ =	shalt  }
0x42: {  	_ =	shalt  }
0x43: {  	_ =	shalt  }
0x44: {  	_ =	shalt  }
0x45: {  	_ =	shalt  }
0x46: {  	_ =	shalt  }
0x47: {  	_ =	shalt  }
0x48: {  	_ =	shalt  }
0x49: {  	_ =	shalt  }
0x4a: {  	_ =	shalt  }
0x4b: {  	_ =	shalt  }
0x4c: {  	_ =	shalt  }
0x4d: {  	_ =	shalt  }
0x4e: {  	_ =	shalt  }
0x4f: {  	_ =	shalt  }
0x50: {  	_ =	shalt  }
0x51: {  	_ =	shalt  }
0x52: {  	_ =	shalt  }
0x53: {  	_ =	shalt  }
0x54: {  	_ =	shalt  }
0x55: {  	_ =	shalt  }
0x56: {  	_ =	shalt  }
0x57: {  	_ =	shalt  }
0x58: {  	_ =	shalt  }
0x59: {  	_ =	shalt  }
0x5a: {  	_ =	shalt  }
0x5b: {  	_ =	shalt  }
0x5c: {  	_ =	shalt  }
0x5d: {  	_ =	shalt  }
0x5e: {  	_ =	shalt  }
0x5f: {  	_ =	shalt  }
0x60: {  	_ =	shalt  }
0x61: {  	_ =	shalt  }
0x62: {  	_ =	shalt  }
0x63: {  	_ =	shalt  }
0x64: {  	_ =	shalt  }
0x65: {  	_ =	shalt  }
0x66: {  	_ =	shalt  }
0x67: {  	_ =	shalt  }
0x68: {  	_ =	shalt  }
0x69: {  	_ =	shalt  }
0x6a: {  	_ =	shalt  }
0x6b: {  	_ =	shalt  }
0x6c: {  	_ =	shalt  }
0x6d: {  	_ =	shalt  }
0x6e: {  	_ =	shalt  }
0x6f: {  	_ =	shalt  }
0x70: {  	_ =	shalt  }
0x71: {  	_ =	shalt  }
0x72: {  	_ =	shalt  }
0x73: {  	_ =	shalt  }
0x74: {  	_ =	shalt  }
0x75: {  	_ =	shalt  }
0x76: {  	_ =	shalt  }
0x77: {  	_ =	shalt  }
0x78: {  	_ =	shalt  }
0x79: {  	_ =	shalt  }
0x7a: {  	_ =	shalt  }
0x7b: {  	_ =	shalt  }
0x7c: {  	_ =	shalt  }
0x7d: {  	_ =	shalt  }
0x7e: {  	_ =	shalt  }
0x7f: {  	_ =	shalt  }
0x80: {  	_ =	shalt  }
0x81: {  	_ =	shalt  }
0x82: {  	_ =	shalt  }
0x83: {  	_ =	shalt  }
0x84: {  	_ =	shalt  }
0x85: {  	_ =	shalt  }
0x86: {  	_ =	shalt  }
0x87: {  	_ =	shalt  }
.Lfunc_end0:
.L_simem_size_0:
called_computation_lowered:
.L_overlay_start_0:
0x88: {  	s2 =	sld [smem:$0x3FD9]  }
0x89: {  	s3 =	sld [smem:$0x3FFE];
	_ =	sdelay $0x1  }
0x8a: {  	s1 =	srdreg.scid  }
0x8b: {  	s0 =	sand.u32 $0x1, s1  }
0x8c: {  	s18 =	sshll.u32 s0, $0xA;
	s2 =	sadd.s32 s3, s2  }
0x8d: {  	s2 =	sadd.s32 s2, s18  }
0x8e: {  	[smem:$0x3FC6] =	sst s2  }
0x8f: {  	_ = 	snop  }
0x90: {  	s2 =	sld [smem:$0x3FC9]  }
0x91: {  	s19 =	sld [smem:$0x3FC8]  }
0x92: {  	s4 =	sld [smem:$0x3FD0];
	(tm) =	ssettm $0x1  }
0x93: {  	s5 =	sld [smem:$0x3FFB];
	_ =	sdelay $0x3  }
0x94: {  	_ =	strace s5  }
0x95: {  	s5 =	sld [smem:$0x3FFC];
	_ =	sdelay $0x3  }
0x96: {  	_ =	strace s5  }
0x97: {  	s5 =	sld [smem:$0x3FFD];
	_ =	sdelay $0x3  }
0x98: {  	_ =	strace s5  }
0x99: {  	_ =	strace $0x8FFFFFFF  }
0x9a: {  	s20 =	sld [smem:$0x3FDB];
	_ =	sdelay $0x1  }
0x9b: {  	s6 =	simm.s32 $_scs_section_size  }
0x9c: {  	s7 =	simm.s32 $_size__tile_overlayer_lowered;
	s8 =	simm.s32 $_tile_overlayer_lowered  }
0x9d: {  	s23 =	simm.s32 $0x1BFF;
	s22 =	sshll.u32 s8, $0x1;
	s5 =	sadd.s32 s6, s20  }
0x9e: {  	s9 =	simm.s32 $0x0;
	s21 =	sshll.u32 s7, $0x1;
	s7 =	sadd.s32 s22, s5  }
0x9f: {  	[timem:s9], [sflag:s23] =	dma.local [hbm:s7], s21  }
0xa0: {  	_ =	swait.ge [sflag:s23], s21  }
0xa1: {  	s6 =	ssub.s32 $0x0, s21;
	[sflag:s23] =	ssyncset.done $0x0  }
0xa2: {  	[sflag:s23] =	ssyncadd.s32 s6;
	_ =	sdelay $0x1  }
0xa3: {  	s24 =	simm.s32 $0x1B8B  }
0xa4: {  	_ =	swait.ge [sflag:s24], $0x1  }
0xa5: {  	[sflag:s24] =	ssyncset.done $0x0  }
0xa6: {  	s25 =	simm.s32 $0x1B8E;
	[sflag:s24] =	ssyncadd.s32 $0xFFFFFFFF  }
0xa7: {  	s26 =	simm.s32 $execute0_lowered;
	[smem:$0x3FD2] =	sst s25  }
0xa8: {  	s6 =	sshll.u32 s26, $0x1;
	_ =	strace $0x80000046;
	[dreg:$0x1] =	wrdreg $0xFFFFFFFF  }
0xa9: {  	s28 =	simm.s32 $_size_execute0_lowered;
	s5 =	sadd.s32 s5, s6;
	[dreg:$0x0] =	wrdreg $0x0  }
0xaa: {  	s6 =	sshll.u32 s28, $0x1;
	[dreg:$0x2] =	wrdreg s5  }
0xab: {  	[dreg:$0x3] =	wrdreg s6  }
0xac: {  	[dreg:$0x4] =	wrdreg $0xC0  }
0xad: {  	_ =	task [dreg:s9], $0x5FFFF  }
0xae: {  	[dreg:$0x1] =	wrdreg $0xFFFFFFFF  }
0xaf: {  	[dreg:$0x0] =	wrdreg $0x60  }
0xb0: {  	[dreg:$0x2] =	wrdreg s2  }
0xb1: {  	[dreg:$0x3] =	wrdreg s19  }
0xb2: {  	[dreg:$0x4] =	wrdreg s4  }
0xb3: {  	[dreg:$0x5] =	wrdreg $0x9  }
0xb4: {  	_ =	task.clear_ibuf [dreg:s9], $0x6FFFF;
	_ =	strace $0x90000046  }
0xb5: {  	s29 =	simm.s32 $0x9;
	_ =	strace $0x80000048  }
0xb6: {  	_ =	swait.ge [sflag:s29], $0x1  }
0xb7: {  	[sflag:s29] =	ssyncadd.s32 $0xFFFFFFFF  }
0xb8: {  	_ =	strace $0x90000048  }
0xb9: {  	_ =	sfence  }
0xba: {  	s30 =	sld [smem:$0x0];
	_ =	sdelay $0x2  }
0xbb: {  	s31 =	sshll.u32 s1, $0xD;
	s1 =	sshrl.u32 s1, $0x2  }
0xbc: {  	s3 =	sand.u32 $0x4000, s31;
	s1 =	sadd.s32 s1, s30  }
0xbd: {  	s0 =	sor.u32 s3, s0;
	s1 =	sshll.u32 s1, $0x11  }
0xbe: {  	s0 =	sor.u32 s1, s0  }
0xbf: {  	s0 =	sadd.s32 $0x8F2B, s0  }
0xc0: {  	[sflag:s0] =	ssyncadd.remote.s32 $0x1  }
0xc1: {  	_ =	sfence.sel $0xFFFF  }
0xc2: {  	[dreg:$0x0] =	wrdreg $0xFFFFFFFF;
	(pc) =	sbr.abs _section_cstart, $3  }
0xc3: {  	[dreg:$0x1] =	wrdreg $0xFFFFFFFF  }
0xc4: {  	_ =	task.clear_ibuf [dreg:s9], $0x2FFFF;
	_ =	strace $0x9FFFFFFF  }
0xc5: {  	(tm) =	ssettm $0x7FFFFFFF  }
tec
execute0_lowered:
.L_overlay_start_1:
0x0: {  	(tag) =	ssettag $0x1  }
0x1: {  	s0 =	rddreg [dreg:$0x0]  }
0x2: {  	s2 =	rddreg [dreg:$0x1]  }
0x3: {  	s1 =	rddreg [dreg:$0x2];
	s3 =	simm.s32 $0x0;
	s10 =	stileid.u32  }
0x4: {  	s4 =	srdreg.scid;
	s14 =	simm.s32 $0x400;
	s22 =	simm.s32 $0x4400  }
0x5: {  	s30 =	simm.s32 $0x7C00;
	s31 =	simm.s32 $0x8400;
	s11 =	simm.s32 $0x9C00  }
0x6: {  	s12 =	simm.s32 $0xA400;
	s13 =	simm.s32 $0xBC00;
	s15 =	simm.s32 $0xC400  }
0x7: {  	s16 =	simm.s32 $0x1;
	s17 =	simm.s32 $0x2;
	s18 =	simm.s32 $0x3  }
0x8: {  	s19 =	simm.s32 $0x4;
	s20 =	simm.s32 $0x5;
	s21 =	simm.s32 $0x6  }
0x9: {  	s23 =	simm.s32 $0x7;
	[smem:$0x7FF] =	sst s3;
	s5 =	sshll.u32 s10, $0x1  }
0xa: {  	s4 =	sand.u32 $0x1, s4;
	s7 =	sshrl.u32 s10, $0x2;
	s26 =	sand.u32 $0x3, s10  }
0xb: {  	s5 =	sand.u32 $0x6, s5;
	s6 =	ssub.s32 $0x2, s4;
	s8 =	sshll.u32 s7, $0x4  }
0xc: {  	_ =	strace $0x80000047;
	s25 =	sshll.u32 s7, $0x14;
	s7 =	sadd.s32 $0x300, s2  }
0xd: {  	s29 =	sshll.u32 s4, $0x11;
	s5 =	sor.u32 s4, s5;
	s9 =	sshrl.u32 s6, $0x1  }
0xe: {  	s0 =	sadd.s32 s0, s8;
	s8 =	sadd.s32 s1, s25;
	s1 =	simm.s32 $0x9400  }
.Ltmp0:
0xf: {  	s4 =	simm.s32 $0xAC00;
	s5 =	sshll.u32 s5, $0x9;
	(pc) =	sbr.rel .LBB2_1-.Ltmp0, $4  }
0x10: {  	s9 =	ssub.s32 s6, s9;
	s6 =	sadd.s32 $0x200, s2;
	s0 =	sadd.s32 s5, s0  }
0x11: {  	v2 =	vlaneseq.u32;
	s5 =	sadd.s32 $0x100, s2;
	s28 =	smax.u32 s9, $0x1;
	[dreg:$0x4] =	wrdreg s0  }
0x12: {  	vm0 =	vmmov $0xffff;
	v1 =	vshrl.u32 v2, $0x3;
	s9 =	simm.s32 $0xB400;
	[dreg:$0x5] =	wrdreg s28;
	s0 =	sshll.u32 s26, $0x12  }
0x13: {  	v0 =	vand.u32 $0x7, v2;
	v2 =	vor.u32 $0x8, v2;
	v1 =	vmul.u32 $0x8, v1;
	s26 =	simm.s32 $0x0;
	s10 =	sor.u32 s29, s0;
	s0 =	simm.s32 $0x8C00  }
.LBB2_7:
0x14: {  	_ =	swait.ge [sflag:s20], $0x4000  }
0x15: {  	[sflag:s20] =	ssyncset.done $0x0  }
0x16: {  	[sflag:s20] =	ssyncadd.s32 $0xFFFFC000  }
0x17: {  	_ =	swait.ge [sflag:s21], $0x4000  }
0x18: {  	[sflag:s21] =	ssyncset.done $0x0  }
0x19: {  	[sflag:s21] =	ssyncadd.s32 $0xFFFFC000  }
0x1a: {  	_ =	swait.ge [sflag:s23], $0x4000  }
0x1b: {  	[sflag:s23] =	ssyncset.done $0x0  }
0x1c: {  	s25 =	simm.s32 $0x8;
	[sflag:s23] =	ssyncadd.s32 $0xFFFFC000  }
0x1d: {  	_ =	swait.ge [sflag:s25], $0x4000  }
0x1e: {  	s26 =	rddreg [dreg:$0x6]  }
0x1f: {  	s24 =	rddreg [dreg:$0x5];
	s26 =	sadd.s32 $0x1, s26  }
0x20: {  	p0 =	sne.s32 s26, s24  }
.Ltmp1:
0x21: {  	_ = 	snop;
	(pc) =	sbr.rel @!p0 .LBB2_8-.Ltmp1, $3  }
0x22: {  	_ =	sdelay $0x1  }
0x23: {  	[sflag:s25] =	ssyncset.done $0x0  }
0x24: {  	[sflag:s25] =	ssyncadd.s32 $0xFFFFC000  }
.LBB2_1:
0x25: {  	[dreg:$0x6] =	wrdreg s26  }
0x26: {  	s24 =	rddreg [dreg:$0x4]  }
0x27: {  	s25 =	simm.s32 $0x80;
	s28 =	simm.s32 $0x200;
	s29 =	simm.s32 $0x9  }
0x28: {  	[tilespmem:s3], [sflag:$0x9] =	stream.strided.gather [hbm4b:s24+s25], $0x400, s28, s25, $0x38;
	[tilespmem:$0x10400] =	vst v63  }
0x29: {  	_ =	swait.ge [sflag:s29], $0x400  }
0x2a: {  	[sflag:s29] =	ssyncset.done $0x0  }
0x2b: {  	[sflag:s29] =	ssyncadd.s32 $0xFFFFFC00  }
0x2c: {  	v3 =	vld [tilespmem:$0x0];
	_ =	sdelay $0x4  }
0x2d: {  	v4 =	vshll.u32 v3, $0x3  }
0x2e: {  	v3 =	vand.u32 $0x7, v3;
	v4 =	vand.u32 $0xFFFFFFC0, v4  }
0x2f: {  	v3 =	vor.u32 v3, v4  }
0x30: {  	v4 =	vperm.xlane v3, v0;
	_ =	sdelay $0x1  }
0x31: {  	v4 =	vadd.s32 v1, v4;
	_ =	sdelay $0x4  }
0x32: {  	[tilespmem:s14], [sflag:$0x1] =	stream.indirect_vreg.gather [hbm4b:s2+s3], $0x80, v4, vm0, $0xb8;
	[tilespmem:$0x10400] =	vst v63  }
0x33: {  	s25 =	simm.s32 $0xC00;
	v3 =	vperm.xlane v3, v2  }
0x34: {  	[tilespmem:s25], [sflag:$0x1] =	stream.indirect_vreg.gather [hbm4b:s5+s3], $0x80, v4, vm0, $0xb8;
	[tilespmem:$0x10400] =	vst v63  }
0x35: {  	s26 =	simm.s32 $0x1400;
	v3 =	vadd.s32 v1, v3  }
0x36: {  	[tilespmem:s26], [sflag:$0x1] =	stream.indirect_vreg.gather [hbm4b:s6+s3], $0x80, v4, vm0, $0xb8;
	[tilespmem:$0x10400] =	vst v63  }
0x37: {  	s28 =	simm.s32 $0x1C00  }
0x38: {  	[tilespmem:s28], [sflag:$0x1] =	stream.indirect_vreg.gather [hbm4b:s7+s3], $0x80, v4, vm0, $0xb8;
	[tilespmem:$0x10400] =	vst v63  }
0x39: {  	s29 =	simm.s32 $0x2400  }
0x3a: {  	[tilespmem:s29], [sflag:$0x1] =	stream.indirect_vreg.gather [hbm4b:s2+s3], $0x80, v3, vm0, $0xb8;
	[tilespmem:$0x10400] =	vst v63  }
0x3b: {  	s25 =	simm.s32 $0x2C00  }
0x3c: {  	[tilespmem:s25], [sflag:$0x1] =	stream.indirect_vreg.gather [hbm4b:s5+s3], $0x80, v3, vm0, $0xb8;
	[tilespmem:$0x10400] =	vst v63  }
0x3d: {  	s26 =	simm.s32 $0x3400  }
0x3e: {  	[tilespmem:s26], [sflag:$0x1] =	stream.indirect_vreg.gather [hbm4b:s6+s3], $0x80, v3, vm0, $0xb8;
	[tilespmem:$0x10400] =	vst v63  }
0x3f: {  	s28 =	simm.s32 $0x3C00  }
0x40: {  	[tilespmem:s28], [sflag:$0x1] =	stream.indirect_vreg.gather [hbm4b:s7+s3], $0x80, v3, vm0, $0xb8;
	[tilespmem:$0x10400] =	vst v63  }
0x41: {  	v3 =	vld [tilespmem:$0x10];
	_ =	sdelay $0x4  }
0x42: {  	v61 =	vshll.u32 v3, $0x3  }
0x43: {  	v3 =	vand.u32 $0x7, v3;
	v4 =	vand.u32 $0xFFFFFFC0, v61  }
0x44: {  	v3 =	vor.u32 v3, v4  }
0x45: {  	v4 =	vperm.xlane v3, v0;
	_ =	sdelay $0x1  }
0x46: {  	v4 =	vadd.s32 v1, v4;
	_ =	sdelay $0x4  }
0x47: {  	[tilespmem:s22], [sflag:$0x2] =	stream.indirect_vreg.gather [hbm4b:s2+s3], $0x80, v4, vm0, $0xb8;
	[tilespmem:$0x10400] =	vst v63  }
0x48: {  	s29 =	simm.s32 $0x4C00;
	v3 =	vperm.xlane v3, v2  }
0x49: {  	[tilespmem:s29], [sflag:$0x2] =	stream.indirect_vreg.gather [hbm4b:s5+s3], $0x80, v4, vm0, $0xb8;
	[tilespmem:$0x10400] =	vst v63  }
0x4a: {  	s25 =	simm.s32 $0x5400;
	v3 =	vadd.s32 v1, v3  }
0x4b: {  	[tilespmem:s25], [sflag:$0x2] =	stream.indirect_vreg.gather [hbm4b:s6+s3], $0x80, v4, vm0, $0xb8;
	[tilespmem:$0x10400] =	vst v63  }
0x4c: {  	s26 =	simm.s32 $0x5C00  }
0x4d: {  	[tilespmem:s26], [sflag:$0x2] =	stream.indirect_vreg.gather [hbm4b:s7+s3], $0x80, v4, vm0, $0xb8;
	[tilespmem:$0x10400] =	vst v63  }
0x4e: {  	s28 =	simm.s32 $0x6400  }
0x4f: {  	[tilespmem:s28], [sflag:$0x2] =	stream.indirect_vreg.gather [hbm4b:s2+s3], $0x80, v3, vm0, $0xb8;
	[tilespmem:$0x10400] =	vst v63  }
0x50: {  	s29 =	simm.s32 $0x6C00  }
0x51: {  	[tilespmem:s29], [sflag:$0x2] =	stream.indirect_vreg.gather [hbm4b:s5+s3], $0x80, v3, vm0, $0xb8;
	[tilespmem:$0x10400] =	vst v63  }
0x52: {  	s25 =	simm.s32 $0x7400  }
0x53: {  	[tilespmem:s25], [sflag:$0x2] =	stream.indirect_vreg.gather [hbm4b:s6+s3], $0x80, v3, vm0, $0xb8;
	[tilespmem:$0x10400] =	vst v63  }
0x54: {  	_ = 	snop  }
0x55: {  	[tilespmem:s30], [sflag:$0x2] =	stream.indirect_vreg.gather [hbm4b:s7+s3], $0x80, v3, vm0, $0xb8;
	[tilespmem:$0x10400] =	vst v63  }
0x56: {  	v3 =	vld [tilespmem:$0x20];
	_ =	sdelay $0x4  }
0x57: {  	v62 =	vshll.u32 v3, $0x3  }
0x58: {  	v3 =	vand.u32 $0x7, v3;
	v4 =	vand.u32 $0xFFFFFFC0, v62  }
0x59: {  	v3 =	vor.u32 v3, v4  }
0x5a: {  	v4 =	vperm.xlane v3, v0;
	_ =	sdelay $0x1  }
0x5b: {  	v4 =	vadd.s32 v1, v4;
	_ =	sdelay $0x4  }
0x5c: {  	[tilespmem:s31], [sflag:$0x3] =	stream.indirect_vreg.gather [hbm4b:s2+s3], $0x80, v4, vm0, $0xb8;
	[tilespmem:$0x10400] =	vst v63  }
0x5d: {  	v3 =	vperm.xlane v3, v2  }
0x5e: {  	[tilespmem:s0], [sflag:$0x3] =	stream.indirect_vreg.gather [hbm4b:s5+s3], $0x80, v4, vm0, $0xb8;
	[tilespmem:$0x10400] =	vst v63  }
0x5f: {  	v3 =	vadd.s32 v1, v3  }
0x60: {  	[tilespmem:s1], [sflag:$0x3] =	stream.indirect_vreg.gather [hbm4b:s6+s3], $0x80, v4, vm0, $0xb8;
	[tilespmem:$0x10400] =	vst v63  }
0x61: {  	_ = 	snop  }
0x62: {  	[tilespmem:s11], [sflag:$0x3] =	stream.indirect_vreg.gather [hbm4b:s7+s3], $0x80, v4, vm0, $0xb8;
	[tilespmem:$0x10400] =	vst v63  }
0x63: {  	_ = 	snop  }
0x64: {  	[tilespmem:s12], [sflag:$0x3] =	stream.indirect_vreg.gather [hbm4b:s2+s3], $0x80, v3, vm0, $0xb8;
	[tilespmem:$0x10400] =	vst v63  }
0x65: {  	_ = 	snop  }
0x66: {  	[tilespmem:s4], [sflag:$0x3] =	stream.indirect_vreg.gather [hbm4b:s5+s3], $0x80, v3, vm0, $0xb8;
	[tilespmem:$0x10400] =	vst v63  }
0x67: {  	_ = 	snop  }
0x68: {  	[tilespmem:s9], [sflag:$0x3] =	stream.indirect_vreg.gather [hbm4b:s6+s3], $0x80, v3, vm0, $0xb8;
	[tilespmem:$0x10400] =	vst v63  }
0x69: {  	_ = 	snop  }
0x6a: {  	[tilespmem:s13], [sflag:$0x3] =	stream.indirect_vreg.gather [hbm4b:s7+s3], $0x80, v3, vm0, $0xb8;
	[tilespmem:$0x10400] =	vst v63  }
0x6b: {  	v3 =	vld [tilespmem:$0x30];
	_ =	sdelay $0x4  }
0x6c: {  	v63 =	vshll.u32 v3, $0x3  }
0x6d: {  	v3 =	vand.u32 $0x7, v3;
	v4 =	vand.u32 $0xFFFFFFC0, v63  }
0x6e: {  	v3 =	vor.u32 v3, v4  }
0x6f: {  	v4 =	vperm.xlane v3, v0;
	_ =	sdelay $0x1  }
0x70: {  	v4 =	vadd.s32 v1, v4;
	_ =	sdelay $0x4  }
0x71: {  	[tilespmem:s15], [sflag:$0x4] =	stream.indirect_vreg.gather [hbm4b:s2+s3], $0x80, v4, vm0, $0xb8;
	[tilespmem:$0x10400] =	vst v63  }
0x72: {  	s26 =	simm.s32 $0xCC00;
	v3 =	vperm.xlane v3, v2  }
0x73: {  	[tilespmem:s26], [sflag:$0x4] =	stream.indirect_vreg.gather [hbm4b:s5+s3], $0x80, v4, vm0, $0xb8;
	[tilespmem:$0x10400] =	vst v63  }
0x74: {  	s28 =	simm.s32 $0xD400;
	v3 =	vadd.s32 v1, v3  }
0x75: {  	[tilespmem:s28], [sflag:$0x4] =	stream.indirect_vreg.gather [hbm4b:s6+s3], $0x80, v4, vm0, $0xb8;
	[tilespmem:$0x10400] =	vst v63  }
0x76: {  	s29 =	simm.s32 $0xDC00  }
0x77: {  	[tilespmem:s29], [sflag:$0x4] =	stream.indirect_vreg.gather [hbm4b:s7+s3], $0x80, v4, vm0, $0xb8;
	[tilespmem:$0x10400] =	vst v63  }
0x78: {  	s25 =	simm.s32 $0xE400  }
0x79: {  	[tilespmem:s25], [sflag:$0x4] =	stream.indirect_vreg.gather [hbm4b:s2+s3], $0x80, v3, vm0, $0xb8;
	[tilespmem:$0x10400] =	vst v63  }
0x7a: {  	s26 =	simm.s32 $0xEC00  }
0x7b: {  	[tilespmem:s26], [sflag:$0x4] =	stream.indirect_vreg.gather [hbm4b:s5+s3], $0x80, v3, vm0, $0xb8;
	[tilespmem:$0x10400] =	vst v63  }
0x7c: {  	s28 =	simm.s32 $0xF400  }
0x7d: {  	[tilespmem:s28], [sflag:$0x4] =	stream.indirect_vreg.gather [hbm4b:s6+s3], $0x80, v3, vm0, $0xb8;
	[tilespmem:$0x10400] =	vst v63  }
0x7e: {  	s24 =	simm.s32 $0x60;
	s29 =	simm.s32 $0xFC00;
	s25 =	simm.s32 $0x0  }
0x7f: {  	[tilespmem:s29], [sflag:$0x4] =	stream.indirect_vreg.gather [hbm4b:s7+s3], $0x80, v3, vm0, $0xb8;
	[tilespmem:$0x10400] =	vst v63  }
.LBB2_2:
0x80: {  	_ =	swait.ge [sflag:s16], $0x4000  }
0x81: {  	s26 =	sadd.s32 s8, s10;
	p0 =	seq.s32 s25, $0x0;
	[sflag:s16] =	ssyncset.done $0x0  }
0x82: {  	s26 =	sadd.s32 s25, s26;
	s28 =	simm.s32 @!p0 $0x8;
	[sflag:s16] =	ssyncadd.s32 $0xFFFFC000  }
0x83: {  	[hbm4b:s26+s3] =	stream.linear.scatter [tilespmem:s14], [sflag:$0x5], $0x4000, $0x38;
	[tilespmem:$0x10400] =	vst v63  }
0x84: {  	_ =	swait.ge @!p0 [sflag:s28], $0x4000  }
0x85: {  	[sflag:s28] =	ssyncset.done @!p0 $0x0  }
0x86: {  	[sflag:s28] =	ssyncadd.s32 @!p0 $0xFFFFC000  }
0x87: {  	v3 =	vld @!p0 [tilespmem:s24+$0xFFFFFFD0];
	_ =	sdelay $0x4  }
0x88: {  	v4 =	vshll.u32 @!p0 v3, $0x3  }
0x89: {  	v5 =	vlaneseq.u32 @!p0;
	v3 =	vand.u32 @!p0 $0x7, v3;
	v4 =	vand.u32 @!p0 $0xFFFFFFC0, v4  }
0x8a: {  	v6 =	vshrl.u32 @!p0 v5, $0x3;
	v3 =	vor.u32 @!p0 v3, v4;
	v4 =	vand.u32 @!p0 $0x7, v5  }
0x8b: {  	v6 =	vmul.u32 @!p0 $0x8, v6;
	v4 =	vperm.xlane @!p0 v3, v4;
	_ =	sdelay $0x1  }
0x8c: {  	v4 =	vadd.s32 @!p0 v6, v4;
	_ =	sdelay $0x3  }
0x8d: {  	vm1 =	vmmov @!p0 $0xffff;
	s29 =	simm.s32 @!p0 $0xC400;
	s28 =	simm.s32 @!p0 $0x0  }
0x8e: {  	v5 =	vor.u32 @!p0 $0x8, v5;
	[tilespmem:s29], [sflag:$0x4] =	stream.indirect_vreg.gather @!p0 [hbm4b:s2+s28], $0x80, v4, vm1, $0xb8;
	[tilespmem:$0x10400] =	vst v63  }
0x8f: {  	v3 =	vperm.xlane @!p0 v3, v5;
	s29 =	simm.s32 @!p0 $0xCC00  }
0x90: {  	[tilespmem:s29], [sflag:$0x4] =	stream.indirect_vreg.gather @!p0 [hbm4b:s5+s28], $0x80, v4, vm1, $0xb8;
	[tilespmem:$0x10400] =	vst v63  }
0x91: {  	v3 =	vadd.s32 @!p0 v6, v3;
	s29 =	simm.s32 @!p0 $0xD400  }
0x92: {  	[tilespmem:s29], [sflag:$0x4] =	stream.indirect_vreg.gather @!p0 [hbm4b:s6+s28], $0x80, v4, vm1, $0xb8;
	[tilespmem:$0x10400] =	vst v63  }
0x93: {  	s29 =	simm.s32 @!p0 $0xDC00  }
0x94: {  	[tilespmem:s29], [sflag:$0x4] =	stream.indirect_vreg.gather @!p0 [hbm4b:s7+s28], $0x80, v4, vm1, $0xb8;
	[tilespmem:$0x10400] =	vst v63  }
0x95: {  	s29 =	simm.s32 @!p0 $0xE400  }
0x96: {  	[tilespmem:s29], [sflag:$0x4] =	stream.indirect_vreg.gather @!p0 [hbm4b:s2+s28], $0x80, v3, vm1, $0xb8;
	[tilespmem:$0x10400] =	vst v63  }
0x97: {  	s29 =	simm.s32 @!p0 $0xEC00  }
0x98: {  	[tilespmem:s29], [sflag:$0x4] =	stream.indirect_vreg.gather @!p0 [hbm4b:s5+s28], $0x80, v3, vm1, $0xb8;
	[tilespmem:$0x10400] =	vst v63  }
0x99: {  	s29 =	simm.s32 @!p0 $0xF400  }
0x9a: {  	[tilespmem:s29], [sflag:$0x4] =	stream.indirect_vreg.gather @!p0 [hbm4b:s6+s28], $0x80, v3, vm1, $0xb8;
	[tilespmem:$0x10400] =	vst v63  }
0x9b: {  	s29 =	simm.s32 @!p0 $0xFC00  }
0x9c: {  	[tilespmem:s29], [sflag:$0x4] =	stream.indirect_vreg.gather @!p0 [hbm4b:s7+s28], $0x80, v3, vm1, $0xb8;
	[tilespmem:$0x10400] =	vst v63  }
0x9d: {  	p0 =	seq.s32 s25, $0x1E000  }
.Ltmp2:
0x9e: {  	_ =	swait.ge [sflag:s17], $0x4000;
	(pc) =	sbr.rel @!p0 .LBB2_3-.Ltmp2, $4  }
0x9f: {  	[sflag:s17] =	ssyncset.done $0x0  }
0xa0: {  	s28 =	sadd.s32 $0x800, s26;
	[sflag:s17] =	ssyncadd.s32 $0xFFFFC000  }
0xa1: {  	[hbm4b:s28+s3] =	stream.linear.scatter [tilespmem:s22], [sflag:$0x6], $0x4000, $0x38;
	[tilespmem:$0x10400] =	vst v63  }
0xa2: {  	s28 =	sadd.s32 $0x1000, s26  }
.Ltmp3:
0xa3: {  	(pc) =	sbr.rel .LBB2_5-.Ltmp3, $4  }
0xa4: {  	_ =	swait.ge [sflag:s18], $0x4000  }
0xa5: {  	[sflag:s18] =	ssyncset.done $0x0  }
0xa6: {  	[sflag:s18] =	ssyncadd.s32 $0xFFFFC000  }
0xa7: {  	[hbm4b:s28+s3] =	stream.linear.scatter [tilespmem:s31], [sflag:$0x7], $0x4000, $0x38;
	[tilespmem:$0x10400] =	vst v63  }
.LBB2_3:
0xa8: {  	_ =	swait.ge [sflag:s20], $0x4000  }
0xa9: {  	[sflag:s20] =	ssyncset.done $0x0  }
0xaa: {  	[sflag:s20] =	ssyncadd.s32 $0xFFFFC000  }
0xab: {  	v3 =	vld [tilespmem:s24+$0xFFFFFFE0];
	_ =	sdelay $0x4  }
0xac: {  	v4 =	vshll.u32 v3, $0x3  }
0xad: {  	v3 =	vand.u32 $0x7, v3;
	v4 =	vand.u32 $0xFFFFFFC0, v4  }
0xae: {  	v3 =	vor.u32 v3, v4  }
0xaf: {  	v4 =	vperm.xlane v3, v0;
	_ =	sdelay $0x1  }
0xb0: {  	v4 =	vadd.s32 v1, v4;
	_ =	sdelay $0x4  }
0xb1: {  	[tilespmem:s14], [sflag:$0x1] =	stream.indirect_vreg.gather [hbm4b:s2+s3], $0x80, v4, vm0, $0xb8;
	[tilespmem:$0x10400] =	vst v63  }
0xb2: {  	s29 =	simm.s32 $0xC00;
	v3 =	vperm.xlane v3, v2  }
0xb3: {  	[tilespmem:s29], [sflag:$0x1] =	stream.indirect_vreg.gather [hbm4b:s5+s3], $0x80, v4, vm0, $0xb8;
	[tilespmem:$0x10400] =	vst v63  }
0xb4: {  	v3 =	vadd.s32 v1, v3;
	s29 =	simm.s32 $0x1400  }
0xb5: {  	[tilespmem:s29], [sflag:$0x1] =	stream.indirect_vreg.gather [hbm4b:s6+s3], $0x80, v4, vm0, $0xb8;
	[tilespmem:$0x10400] =	vst v63  }
0xb6: {  	s29 =	simm.s32 $0x1C00  }
0xb7: {  	[tilespmem:s29], [sflag:$0x1] =	stream.indirect_vreg.gather [hbm4b:s7+s3], $0x80, v4, vm0, $0xb8;
	[tilespmem:$0x10400] =	vst v63  }
0xb8: {  	s29 =	simm.s32 $0x2400  }
0xb9: {  	[tilespmem:s29], [sflag:$0x1] =	stream.indirect_vreg.gather [hbm4b:s2+s3], $0x80, v3, vm0, $0xb8;
	[tilespmem:$0x10400] =	vst v63  }
0xba: {  	s29 =	simm.s32 $0x2C00  }
0xbb: {  	[tilespmem:s29], [sflag:$0x1] =	stream.indirect_vreg.gather [hbm4b:s5+s3], $0x80, v3, vm0, $0xb8;
	[tilespmem:$0x10400] =	vst v63  }
0xbc: {  	s29 =	simm.s32 $0x3400  }
0xbd: {  	[tilespmem:s29], [sflag:$0x1] =	stream.indirect_vreg.gather [hbm4b:s6+s3], $0x80, v3, vm0, $0xb8;
	[tilespmem:$0x10400] =	vst v63  }
0xbe: {  	s29 =	simm.s32 $0x3C00  }
0xbf: {  	[tilespmem:s29], [sflag:$0x1] =	stream.indirect_vreg.gather [hbm4b:s7+s3], $0x80, v3, vm0, $0xb8;
	[tilespmem:$0x10400] =	vst v63  }
0xc0: {  	_ =	swait.ge [sflag:s18], $0x4000  }
0xc1: {  	[sflag:s18] =	ssyncset.done $0x0  }
0xc2: {  	[sflag:s18] =	ssyncadd.s32 $0xFFFFC000  }
0xc3: {  	[hbm4b:s28+s3] =	stream.linear.scatter [tilespmem:s31], [sflag:$0x7], $0x4000, $0x38;
	[tilespmem:$0x10400] =	vst v63  }
0xc4: {  	_ =	swait.ge [sflag:s21], $0x4000  }
0xc5: {  	[sflag:s21] =	ssyncset.done $0x0  }
0xc6: {  	[sflag:s21] =	ssyncadd.s32 $0xFFFFC000  }
0xc7: {  	v3 =	vld [tilespmem:s24+$0xFFFFFFF0];
	_ =	sdelay $0x4  }
0xc8: {  	v63 =	vshll.u32 v3, $0x3  }
0xc9: {  	v3 =	vand.u32 $0x7, v3;
	v4 =	vand.u32 $0xFFFFFFC0, v63  }
0xca: {  	v3 =	vor.u32 v3, v4  }
0xcb: {  	v4 =	vperm.xlane v3, v0;
	_ =	sdelay $0x1  }
0xcc: {  	v4 =	vadd.s32 v1, v4;
	_ =	sdelay $0x4  }
0xcd: {  	[tilespmem:s22], [sflag:$0x2] =	stream.indirect_vreg.gather [hbm4b:s2+s3], $0x80, v4, vm0, $0xb8;
	[tilespmem:$0x10400] =	vst v63  }
0xce: {  	s29 =	simm.s32 $0x4C00;
	v3 =	vperm.xlane v3, v2  }
0xcf: {  	[tilespmem:s29], [sflag:$0x2] =	stream.indirect_vreg.gather [hbm4b:s5+s3], $0x80, v4, vm0, $0xb8;
	[tilespmem:$0x10400] =	vst v63  }
0xd0: {  	v3 =	vadd.s32 v1, v3;
	s29 =	simm.s32 $0x5400  }
0xd1: {  	[tilespmem:s29], [sflag:$0x2] =	stream.indirect_vreg.gather [hbm4b:s6+s3], $0x80, v4, vm0, $0xb8;
	[tilespmem:$0x10400] =	vst v63  }
0xd2: {  	s29 =	simm.s32 $0x5C00  }
0xd3: {  	[tilespmem:s29], [sflag:$0x2] =	stream.indirect_vreg.gather [hbm4b:s7+s3], $0x80, v4, vm0, $0xb8;
	[tilespmem:$0x10400] =	vst v63  }
0xd4: {  	s29 =	simm.s32 $0x6400  }
0xd5: {  	[tilespmem:s29], [sflag:$0x2] =	stream.indirect_vreg.gather [hbm4b:s2+s3], $0x80, v3, vm0, $0xb8;
	[tilespmem:$0x10400] =	vst v63  }
0xd6: {  	s29 =	simm.s32 $0x6C00  }
0xd7: {  	[tilespmem:s29], [sflag:$0x2] =	stream.indirect_vreg.gather [hbm4b:s5+s3], $0x80, v3, vm0, $0xb8;
	[tilespmem:$0x10400] =	vst v63  }
0xd8: {  	s29 =	simm.s32 $0x7400  }
0xd9: {  	[tilespmem:s29], [sflag:$0x2] =	stream.indirect_vreg.gather [hbm4b:s6+s3], $0x80, v3, vm0, $0xb8;
	[tilespmem:$0x10400] =	vst v63  }
0xda: {  	_ = 	snop  }
0xdb: {  	[tilespmem:s30], [sflag:$0x2] =	stream.indirect_vreg.gather [hbm4b:s7+s3], $0x80, v3, vm0, $0xb8;
	[tilespmem:$0x10400] =	vst v63  }
.LBB2_5:
.Ltmp4:
0xdc: {  	(pc) =	sbr.rel @p0 .LBB2_7-.Ltmp4, $4  }
0xdd: {  	_ =	swait.ge [sflag:s19], $0x4000  }
0xde: {  	[sflag:s19] =	ssyncset.done $0x0  }
0xdf: {  	s26 =	sadd.s32 $0x1800, s26;
	[sflag:s19] =	ssyncadd.s32 $0xFFFFC000  }
0xe0: {  	[hbm4b:s26+s3] =	stream.linear.scatter [tilespmem:s15], [sflag:$0x8], $0x4000, $0x38;
	[tilespmem:$0x10400] =	vst v63  }
0xe1: {  	_ =	swait.ge [sflag:s23], $0x4000  }
0xe2: {  	[sflag:s23] =	ssyncset.done $0x0  }
0xe3: {  	[sflag:s23] =	ssyncadd.s32 $0xFFFFC000  }
0xe4: {  	v3 =	vld [tilespmem:s24+$0x0];
	_ =	sdelay $0x4  }
0xe5: {  	v4 =	vshll.u32 v3, $0x3  }
0xe6: {  	v3 =	vand.u32 $0x7, v3;
	v4 =	vand.u32 $0xFFFFFFC0, v4  }
0xe7: {  	v3 =	vor.u32 v3, v4  }
0xe8: {  	v4 =	vperm.xlane v3, v0;
	_ =	sdelay $0x1  }
0xe9: {  	v4 =	vadd.s32 v1, v4;
	_ =	sdelay $0x4  }
0xea: {  	[tilespmem:s31], [sflag:$0x3] =	stream.indirect_vreg.gather [hbm4b:s2+s3], $0x80, v4, vm0, $0xb8;
	[tilespmem:$0x10400] =	vst v63  }
0xeb: {  	v3 =	vperm.xlane v3, v2  }
0xec: {  	[tilespmem:s0], [sflag:$0x3] =	stream.indirect_vreg.gather [hbm4b:s5+s3], $0x80, v4, vm0, $0xb8;
	[tilespmem:$0x10400] =	vst v63  }
0xed: {  	v3 =	vadd.s32 v1, v3  }
0xee: {  	[tilespmem:s1], [sflag:$0x3] =	stream.indirect_vreg.gather [hbm4b:s6+s3], $0x80, v4, vm0, $0xb8;
	[tilespmem:$0x10400] =	vst v63  }
0xef: {  	_ = 	snop  }
0xf0: {  	[tilespmem:s11], [sflag:$0x3] =	stream.indirect_vreg.gather [hbm4b:s7+s3], $0x80, v4, vm0, $0xb8;
	[tilespmem:$0x10400] =	vst v63  }
0xf1: {  	_ = 	snop  }
0xf2: {  	[tilespmem:s12], [sflag:$0x3] =	stream.indirect_vreg.gather [hbm4b:s2+s3], $0x80, v3, vm0, $0xb8;
	[tilespmem:$0x10400] =	vst v63  }
0xf3: {  	_ = 	snop  }
0xf4: {  	[tilespmem:s4], [sflag:$0x3] =	stream.indirect_vreg.gather [hbm4b:s5+s3], $0x80, v3, vm0, $0xb8;
	[tilespmem:$0x10400] =	vst v63  }
.Ltmp5:
0xf5: {  	_ = 	snop;
	(pc) =	sbr.rel .LBB2_2-.Ltmp5, $4  }
0xf6: {  	_ = 	snop  }
0xf7: {  	[tilespmem:s9], [sflag:$0x3] =	stream.indirect_vreg.gather [hbm4b:s6+s3], $0x80, v3, vm0, $0xb8;
	[tilespmem:$0x10400] =	vst v63  }
0xf8: {  	s25 =	sadd.s32 $0x2000, s25;
	s24 =	sadd.s32 $0x40, s24  }
0xf9: {  	[tilespmem:s13], [sflag:$0x3] =	stream.indirect_vreg.gather [hbm4b:s7+s3], $0x80, v3, vm0, $0xb8;
	[tilespmem:$0x10400] =	vst v63  }
.LBB2_8:
0xfa: {  	_ =	sfence.sel $0x180000  }
0xfb: {  	[bflag:$0x0] =	sbarrier.arrive $0xFFFF  }
0xfc: {  	_ =	strace $0x90000047  }
0xfd: {  	s0 =	stileid.u32;
	[bflag:$0x2] =	sbarrier.arrive $0xFFFF  }
0xfe: {  	p0 =	sne.s32 s0, $0x0;
	s0 =	rddreg [dreg:$0x3]  }
0xff: {  	s0 =	sadd.s32 @!p0 $0x100000, s0  }
0x100: {  	[sflag:s0] =	ssyncadd.tile.s32 @!p0 $0x1;
	_ =	shalt  }
.Lfunc_end2:
_tile_overlayer_lowered:
.L_overlay_start_2:
0x101: {  	(tag) =	ssettag $0x2  }
0x102: {  	s0 =	rddreg [dreg:$0x0];
	s2 =	stileid.u32  }
0x103: {  	s1 =	rddreg [dreg:$0x1];
	p0 =	sne.s32 s2, $0x0  }
0x104: {  	s3 =	rddreg [dreg:$0x2];
	[bflag:$0x3] =	sbarrier.arrive $0xFFFF;
	s2 =	simm.s32 @!p0 $0x1C09  }
0x105: {  	[timem:s3], [sflag:s2] =	dma.local @!p0 [hbm:s0], s1  }
0x106: {  	s0 =	simm.s32 @!p0 $0x9  }
0x107: {  	_ =	swait.ge @!p0 [sflag:s0], s1  }
0x108: {  	s1 =	ssub.s32 @!p0 $0x0, s1;
	[sflag:s0] =	ssyncset.done @!p0 $0x0  }
0x109: {  	[sflag:s0] =	ssyncadd.s32 @!p0 s1  }
0x10a: {  	[bflag:$0x3] =	sbarrier.arrive $0xFFFF  }
0x10b: {  	_ =	shalt  }

</sc_bundles>
